<compile_context>
chip_gen: v7x
topology: tpu7x:2x2x1
jax: 0.10.2.dev20260603
libtpu: 0.0.44.dev20260713+nightly
codegen_flags: <defaults>
</compile_context>

<pallas_src>
import functools

import jax
import jax.numpy as jnp
from jax import lax
from jax.experimental import pallas as pl
from jax.experimental.pallas import tpu as pltpu
from jax.experimental.pallas import tpu_sc as plsc

_BOUNDS = [-3.1, -2.9, -2.7, -2.5, -2.3, -2.1, -1.9, -1.7, -1.5, -1.3, -1.1,
           -0.9, -0.7, -0.5, -0.3, -0.1, 0.1, 0.3, 0.5, 0.7, 0.9, 1.1, 1.3,
           1.5, 1.7, 1.9, 2.1, 2.3, 2.5, 2.7, 2.9, 3.1]
_CORR_MASK = 0x84500A21

_ROWS = 4096
_COLS = 4096
_S = 1024
_NW = 32
_ROWS_W = _S // _NW
_CR = 8
_NCH = _ROWS_W // _CR
_VECS = _COLS // 16

_BR = 512


def _bucketize_chunk(vin, vout, tbl):
  @plsc.parallel_loop(0, _CR * _VECS, unroll=8)
  def body(i):
    r = i >> 8
    col = (i & (_VECS - 1)) * 16
    v = vin[r, pl.ds(col, 16)]
    t = v * 5.0 + 16.0
    t = jnp.minimum(jnp.maximum(t, 0.0), 31.0)
    j = t.astype(jnp.int32)
    b = plsc.load_gather(tbl, [j])
    vout[r, pl.ds(col, 16)] = j + (v >= b).astype(jnp.int32)


def _sc_bucketize(x_hbm, tbl_hbm, out_hbm, tbl_v, vin0, vin1, vout0,
                  isem0, isem1, osem0):
  wid = lax.axis_index("s") * 2 + lax.axis_index("c")
  base = wid * _ROWS_W

  pltpu.sync_copy(tbl_hbm, tbl_v)

  vins = (vin0, vin1)
  isems = (isem0, isem1)

  def start_in(c):
    slot = c % 2
    pltpu.async_copy(x_hbm.at[pl.ds(base + c * _CR, _CR)], vins[slot],
                     isems[slot])

  start_in(0)
  for c in range(_NCH):
    slot = c % 2
    if c + 1 < _NCH:
      start_in(c + 1)
    pltpu.make_async_copy(x_hbm.at[pl.ds(base + c * _CR, _CR)], vins[slot],
                          isems[slot]).wait()
    if c >= 1:
      pltpu.make_async_copy(vout0,
                            out_hbm.at[pl.ds(base + (c - 1) * _CR, _CR)],
                            osem0).wait()
    _bucketize_chunk(vins[slot], vout0, tbl_v)
    pltpu.async_copy(vout0, out_hbm.at[pl.ds(base + c * _CR, _CR)], osem0)

  pltpu.make_async_copy(vout0,
                        out_hbm.at[pl.ds(base + (_NCH - 1) * _CR, _CR)],
                        osem0).wait()


def _tc_body(x_ref, o_ref):
  v = x_ref[...]
  t = jnp.minimum(jnp.maximum(v * 5.0 + 16.0, 0.0), 31.0)
  j = t.astype(jnp.int32)
  f = (j.astype(jnp.float32) - 15.5) * 0.2
  corr = (jnp.int32(-2075194847) >> j) & 1
  bbits = lax.bitcast_convert_type(f, jnp.int32) - corr
  b = lax.bitcast_convert_type(bbits, jnp.float32)
  o_ref[...] = j + (v >= b).astype(jnp.int32)


@jax.jit
def _run(x, tbl):
  mesh = plsc.VectorSubcoreMesh(core_axis_name="c", subcore_axis_name="s")
  sc_fn = pl.kernel(
      _sc_bucketize,
      out_type=jax.ShapeDtypeStruct((_S, _COLS), jnp.int32),
      mesh=mesh,
      compiler_params=pltpu.CompilerParams(needs_layout_passes=False),
      scratch_types=[
          pltpu.VMEM((32,), jnp.float32),
          pltpu.VMEM((_CR, _COLS), jnp.float32),
          pltpu.VMEM((_CR, _COLS), jnp.float32),
          pltpu.VMEM((_CR, _COLS), jnp.int32),
          pltpu.SemaphoreType.DMA,
          pltpu.SemaphoreType.DMA,
          pltpu.SemaphoreType.DMA,
      ],
  )
  sc_out = sc_fn(x, tbl)

  ntc = (_ROWS - _S) // _BR
  off = _S // _BR
  tc_full = pl.pallas_call(
      _tc_body,
      grid=(ntc,),
      in_specs=[pl.BlockSpec((_BR, _COLS), lambda i: (i + off, 0))],
      out_specs=pl.BlockSpec((_BR, _COLS), lambda i: (i + off, 0)),
      out_shape=jax.ShapeDtypeStruct((_ROWS, _COLS), jnp.int32),
  )(x)

  return lax.dynamic_update_slice(tc_full, sc_out, (0, 0))


def kernel(inputs):
  tbl = jnp.asarray(_BOUNDS, dtype=jnp.float32)
  return _run(inputs, tbl)

# --- scband reference (transcript-rebuilt; emitter-appended) ---
"""Pipeline reference for scband-discretization-12799002542274 (READ-ONLY COPY).

The authoritative reference and input builder live on the scoring server;
editing this copy changes nothing except your own understanding.
"""

import jax, jax.numpy as jnp
import numpy as np

BINS = [-3.1, -2.9, -2.7, -2.5, -2.3, -2.1, -1.9, -1.7, -1.5, -1.3, -1.1, -0.9, -0.7, -0.5, -0.3, -0.1, 0.1, 0.3, 0.5, 0.7, 0.9, 1.1, 1.3, 1.5, 1.7, 1.9, 2.1, 2.3, 2.5, 2.7, 2.9, 3.1]


def setup_inputs(seed: int = 0) -> dict:
    key = jax.random.key(seed)
    inputs = jax.random.normal(key, (4096, 4096), dtype=jnp.float32)
    return {"inputs": inputs}


def reference(inputs):
    # TF's math_ops._bucketize: bins include the left boundary and exclude the
    # right boundary. For boundaries b, value v gets bucket = number of
    # boundaries <= v, which is exactly searchsorted(side='right').
    boundaries = jnp.asarray(BINS, dtype=jnp.float32)
    buckets = jnp.searchsorted(boundaries, inputs, side='right')
    return buckets.astype(jnp.int32)

if __name__ == "__main__":
    import jax
    _d = setup_inputs()
    print(jax.jit(kernel)(*tuple(_d.values())))

</pallas_src>

<mosaic_0001>
#map = affine_map<(d0, d1) -> (0, 0)>
#map1 = affine_map<(d0, d1) -> (0)>
module attributes {stable_mosaic.version = 14 : i64} {
  func.func @_sc_bucketize(%arg0: i32, %arg1: i32, %arg2: memref<4096x4096xf32, #tpu.memory_space<hbm>>, %arg3: memref<32xf32, #tpu.memory_space<hbm>>, %arg4: memref<1024x4096xi32, #tpu.memory_space<hbm>>, %arg5: memref<32xf32, #tpu.memory_space<vmem>>, %arg6: memref<8x4096xf32, #tpu.memory_space<vmem>>, %arg7: memref<8x4096xf32, #tpu.memory_space<vmem>>, %arg8: memref<8x4096xi32, #tpu.memory_space<vmem>>, %arg9: memref<!tpu.dma_semaphore, #tpu.memory_space<semaphore_mem>>, %arg10: memref<!tpu.dma_semaphore, #tpu.memory_space<semaphore_mem>>, %arg11: memref<!tpu.dma_semaphore, #tpu.memory_space<semaphore_mem>>) attributes {dimension_semantics = [#tpu.dimension_semantics<core_parallel>, #tpu.dimension_semantics<subcore_parallel>], iteration_bounds = array<i64: 2, 16>, scalar_prefetch = 0 : i64, scratch_operands = 7 : i64, tpu.core_type = #tpu.core_type<sc_vector_subcore>, window_params = [{transform_indices = #map}, {transform_indices = #map1}, {transform_indices = #map}]} {
    %mul3A = arith.constant 2 : i32
    %mul3A_0 = arith.muli %arg1, %mul3A : i32
    %add3A = arith.addi %mul3A_0, %arg0 : i32
    %mul3A_1 = arith.constant 32 : i32
    %mul3A_2 = arith.muli %add3A, %mul3A_1 : i32
    "tpu.region"() ({
      %run_scoped3A = tpu.sem_alloc : memref<!tpu.dma_semaphore, #tpu.memory_space<semaphore_mem>>
      tpu.enqueue_dma source(%arg3 : memref<32xf32, #tpu.memory_space<hbm>>) target(%arg5 : memref<32xf32, #tpu.memory_space<vmem>>) target_semaphore(%run_scoped3A : memref<!tpu.dma_semaphore, #tpu.memory_space<semaphore_mem>>)
      tpu.wait_dma2 semaphore(%run_scoped3A : memref<!tpu.dma_semaphore, #tpu.memory_space<semaphore_mem>>) src(%arg3 : memref<32xf32, #tpu.memory_space<hbm>>) dst(%arg5 : memref<32xf32, #tpu.memory_space<vmem>>)
      tpu.yield
    }) : () -> ()
    %add3A_3 = arith.constant 0 : i32
    %add3A_4 = arith.addi %mul3A_2, %add3A_3 : i32
    %dma_start3A = arith.constant 0 : i32
    %dma_start3A_5 = tpu.memref_slice %arg2[%add3A_4, %dma_start3A] : memref<4096x4096xf32, #tpu.memory_space<hbm>> -> memref<8x4096xf32, #tpu.memory_space<hbm>>
    %dma_start3A_6 = arith.constant 0 : i32
    %dma_start3A_7 = tpu.memref_slice %arg2[%add3A_4, %dma_start3A_6] : memref<4096x4096xf32, #tpu.memory_space<hbm>> -> memref<8x4096xf32, #tpu.memory_space<hbm>>
    tpu.enqueue_dma source(%dma_start3A_7 : memref<8x4096xf32, #tpu.memory_space<hbm>>) target(%arg6 : memref<8x4096xf32, #tpu.memory_space<vmem>>) target_semaphore(%arg9 : memref<!tpu.dma_semaphore, #tpu.memory_space<semaphore_mem>>)
    %add3A_8 = arith.constant 8 : i32
    %add3A_9 = arith.addi %mul3A_2, %add3A_8 : i32
    %dma_start3A_10 = arith.constant 0 : i32
    %dma_start3A_11 = tpu.memref_slice %arg2[%add3A_9, %dma_start3A_10] : memref<4096x4096xf32, #tpu.memory_space<hbm>> -> memref<8x4096xf32, #tpu.memory_space<hbm>>
    %dma_start3A_12 = arith.constant 0 : i32
    %dma_start3A_13 = tpu.memref_slice %arg2[%add3A_9, %dma_start3A_12] : memref<4096x4096xf32, #tpu.memory_space<hbm>> -> memref<8x4096xf32, #tpu.memory_space<hbm>>
    tpu.enqueue_dma source(%dma_start3A_13 : memref<8x4096xf32, #tpu.memory_space<hbm>>) target(%arg7 : memref<8x4096xf32, #tpu.memory_space<vmem>>) target_semaphore(%arg10 : memref<!tpu.dma_semaphore, #tpu.memory_space<semaphore_mem>>)
    %add3A_14 = arith.constant 0 : i32
    %add3A_15 = arith.addi %mul3A_2, %add3A_14 : i32
    %dma_wait3A = arith.constant 0 : i32
    %dma_wait3A_16 = tpu.memref_slice %arg2[%add3A_15, %dma_wait3A] : memref<4096x4096xf32, #tpu.memory_space<hbm>> -> memref<8x4096xf32, #tpu.memory_space<hbm>>
    %dma_wait3A_17 = arith.constant 0 : i32
    %dma_wait3A_18 = tpu.memref_slice %arg2[%add3A_15, %dma_wait3A_17] : memref<4096x4096xf32, #tpu.memory_space<hbm>> -> memref<8x4096xf32, #tpu.memory_space<hbm>>
    tpu.wait_dma2 semaphore(%arg9 : memref<!tpu.dma_semaphore, #tpu.memory_space<semaphore_mem>>) src(%dma_wait3A_18 : memref<8x4096xf32, #tpu.memory_space<hbm>>) dst(%arg6 : memref<8x4096xf32, #tpu.memory_space<vmem>>)
    %parallel_loop3A = arith.constant 0 : i32
    %parallel_loop3A_19 = arith.constant 2048 : i32
    %parallel_loop3A_20 = arith.constant 1 : i32
    scf.for %parallel_loop3A_108 = %parallel_loop3A to %parallel_loop3A_19 step %parallel_loop3A_20  : i32 {
      %parallel_loop3A_109 = arith.constant 8 : i32
      %parallel_loop3A_110 = arith.shrsi %parallel_loop3A_108, %parallel_loop3A_109 : i32
      %parallel_loop3A_111 = arith.constant 255 : i32
      %parallel_loop3A_112 = arith.andi %parallel_loop3A_108, %parallel_loop3A_111 : i32
      %parallel_loop3A_113 = arith.constant 16 : i32
      %parallel_loop3A_114 = arith.muli %parallel_loop3A_112, %parallel_loop3A_113 : i32
      %parallel_loop3A_115 = arith.index_cast %parallel_loop3A_110 : i32 to index
      %parallel_loop3A_116 = arith.index_cast %parallel_loop3A_114 : i32 to index
      %parallel_loop3A_117 = tpu.vector_load %arg6[%parallel_loop3A_115, %parallel_loop3A_116] {strides = array<i32>} : memref<8x4096xf32, #tpu.memory_space<vmem>>, vector<16xf32>,
      %parallel_loop3A_118 = arith.constant 5.000000e+00 : f32
      %parallel_loop3A_119 = vector.broadcast %parallel_loop3A_118 : f32 to vector<16xf32>
      %parallel_loop3A_120 = arith.mulf %parallel_loop3A_117, %parallel_loop3A_119 : vector<16xf32>
      %parallel_loop3A_121 = arith.constant 1.600000e+01 : f32
      %parallel_loop3A_122 = vector.broadcast %parallel_loop3A_121 : f32 to vector<16xf32>
      %parallel_loop3A_123 = arith.addf %parallel_loop3A_120, %parallel_loop3A_122 : vector<16xf32>
      %parallel_loop3A_124 = arith.constant 0.000000e+00 : f32
      %parallel_loop3A_125 = vector.broadcast %parallel_loop3A_124 : f32 to vector<16xf32>
      %parallel_loop3A_126 = arith.maximumf %parallel_loop3A_123, %parallel_loop3A_125 : vector<16xf32>
      %parallel_loop3A_127 = arith.constant 3.100000e+01 : f32
      %parallel_loop3A_128 = vector.broadcast %parallel_loop3A_127 : f32 to vector<16xf32>
      %parallel_loop3A_129 = arith.minimumf %parallel_loop3A_126, %parallel_loop3A_128 : vector<16xf32>
      %parallel_loop3A_130 = arith.fptosi %parallel_loop3A_129 : vector<16xf32> to vector<16xi32>
      %parallel_loop3A_131 = tpu.vector_load_idx %arg5[%parallel_loop3A_130] : memref<32xf32, #tpu.memory_space<vmem>>[vector<16xi32>], vector<16xf32>,
      %parallel_loop3A_132 = arith.cmpf oge, %parallel_loop3A_117, %parallel_loop3A_131 : vector<16xf32>
      %parallel_loop3A_133 = arith.extui %parallel_loop3A_132 : vector<16xi1> to vector<16xi32>
      %parallel_loop3A_134 = arith.addi %parallel_loop3A_130, %parallel_loop3A_133 : vector<16xi32>
      %parallel_loop3A_135 = arith.index_cast %parallel_loop3A_110 : i32 to index
      %parallel_loop3A_136 = arith.index_cast %parallel_loop3A_114 : i32 to index
      %parallel_loop3A_137 = tpu.vector_load %arg8[%parallel_loop3A_135, %parallel_loop3A_136] {strides = array<i32>} : memref<8x4096xi32, #tpu.memory_space<vmem>>, vector<16xi32>,
      tpu.vector_store %arg8[%parallel_loop3A_135, %parallel_loop3A_136], %parallel_loop3A_134 {strides = array<i32>} : memref<8x4096xi32, #tpu.memory_space<vmem>>, vector<16xi32>,
    } {sc.loop_unroll_factor = 8 : i64, sc.parallel_access}
    %add3A_21 = arith.constant 0 : i32
    %add3A_22 = arith.addi %mul3A_2, %add3A_21 : i32
    %dma_start3A_23 = arith.constant 0 : i32
    %dma_start3A_24 = tpu.memref_slice %arg4[%add3A_22, %dma_start3A_23] : memref<1024x4096xi32, #tpu.memory_space<hbm>> -> memref<8x4096xi32, #tpu.memory_space<hbm>>
    %dma_start3A_25 = arith.constant 0 : i32
    %dma_start3A_26 = tpu.memref_slice %arg4[%add3A_22, %dma_start3A_25] : memref<1024x4096xi32, #tpu.memory_space<hbm>> -> memref<8x4096xi32, #tpu.memory_space<hbm>>
    tpu.enqueue_dma source(%arg8 : memref<8x4096xi32, #tpu.memory_space<vmem>>) target(%dma_start3A_26 : memref<8x4096xi32, #tpu.memory_space<hbm>>) target_semaphore(%arg11 : memref<!tpu.dma_semaphore, #tpu.memory_space<semaphore_mem>>)
    %add3A_27 = arith.constant 16 : i32
    %add3A_28 = arith.addi %mul3A_2, %add3A_27 : i32
    %dma_start3A_29 = arith.constant 0 : i32
    %dma_start3A_30 = tpu.memref_slice %arg2[%add3A_28, %dma_start3A_29] : memref<4096x4096xf32, #tpu.memory_space<hbm>> -> memref<8x4096xf32, #tpu.memory_space<hbm>>
    %dma_start3A_31 = arith.constant 0 : i32
    %dma_start3A_32 = tpu.memref_slice %arg2[%add3A_28, %dma_start3A_31] : memref<4096x4096xf32, #tpu.memory_space<hbm>> -> memref<8x4096xf32, #tpu.memory_space<hbm>>
    tpu.enqueue_dma source(%dma_start3A_32 : memref<8x4096xf32, #tpu.memory_space<hbm>>) target(%arg6 : memref<8x4096xf32, #tpu.memory_space<vmem>>) target_semaphore(%arg9 : memref<!tpu.dma_semaphore, #tpu.memory_space<semaphore_mem>>)
    %add3A_33 = arith.constant 8 : i32
    %add3A_34 = arith.addi %mul3A_2, %add3A_33 : i32
    %dma_wait3A_35 = arith.constant 0 : i32
    %dma_wait3A_36 = tpu.memref_slice %arg2[%add3A_34, %dma_wait3A_35] : memref<4096x4096xf32, #tpu.memory_space<hbm>> -> memref<8x4096xf32, #tpu.memory_space<hbm>>
    %dma_wait3A_37 = arith.constant 0 : i32
    %dma_wait3A_38 = tpu.memref_slice %arg2[%add3A_34, %dma_wait3A_37] : memref<4096x4096xf32, #tpu.memory_space<hbm>> -> memref<8x4096xf32, #tpu.memory_space<hbm>>
    tpu.wait_dma2 semaphore(%arg10 : memref<!tpu.dma_semaphore, #tpu.memory_space<semaphore_mem>>) src(%dma_wait3A_38 : memref<8x4096xf32, #tpu.memory_space<hbm>>) dst(%arg7 : memref<8x4096xf32, #tpu.memory_space<vmem>>)
    %add3A_39 = arith.constant 0 : i32
    %add3A_40 = arith.addi %mul3A_2, %add3A_39 : i32
    %dma_wait3A_41 = arith.constant 0 : i32
    %dma_wait3A_42 = tpu.memref_slice %arg4[%add3A_40, %dma_wait3A_41] : memref<1024x4096xi32, #tpu.memory_space<hbm>> -> memref<8x4096xi32, #tpu.memory_space<hbm>>
    %dma_wait3A_43 = arith.constant 0 : i32
    %dma_wait3A_44 = tpu.memref_slice %arg4[%add3A_40, %dma_wait3A_43] : memref<1024x4096xi32, #tpu.memory_space<hbm>> -> memref<8x4096xi32, #tpu.memory_space<hbm>>
    tpu.wait_dma2 semaphore(%arg11 : memref<!tpu.dma_semaphore, #tpu.memory_space<semaphore_mem>>) src(%arg8 : memref<8x4096xi32, #tpu.memory_space<vmem>>) dst(%dma_wait3A_44 : memref<8x4096xi32, #tpu.memory_space<hbm>>)
    %parallel_loop3A_45 = arith.constant 0 : i32
    %parallel_loop3A_46 = arith.constant 2048 : i32
    %parallel_loop3A_47 = arith.constant 1 : i32
    scf.for %parallel_loop3A_108 = %parallel_loop3A_45 to %parallel_loop3A_46 step %parallel_loop3A_47  : i32 {
      %parallel_loop3A_109 = arith.constant 8 : i32
      %parallel_loop3A_110 = arith.shrsi %parallel_loop3A_108, %parallel_loop3A_109 : i32
      %parallel_loop3A_111 = arith.constant 255 : i32
      %parallel_loop3A_112 = arith.andi %parallel_loop3A_108, %parallel_loop3A_111 : i32
      %parallel_loop3A_113 = arith.constant 16 : i32
      %parallel_loop3A_114 = arith.muli %parallel_loop3A_112, %parallel_loop3A_113 : i32
      %parallel_loop3A_115 = arith.index_cast %parallel_loop3A_110 : i32 to index
      %parallel_loop3A_116 = arith.index_cast %parallel_loop3A_114 : i32 to index
      %parallel_loop3A_117 = tpu.vector_load %arg7[%parallel_loop3A_115, %parallel_loop3A_116] {strides = array<i32>} : memref<8x4096xf32, #tpu.memory_space<vmem>>, vector<16xf32>,
      %parallel_loop3A_118 = arith.constant 5.000000e+00 : f32
      %parallel_loop3A_119 = vector.broadcast %parallel_loop3A_118 : f32 to vector<16xf32>
      %parallel_loop3A_120 = arith.mulf %parallel_loop3A_117, %parallel_loop3A_119 : vector<16xf32>
      %parallel_loop3A_121 = arith.constant 1.600000e+01 : f32
      %parallel_loop3A_122 = vector.broadcast %parallel_loop3A_121 : f32 to vector<16xf32>
      %parallel_loop3A_123 = arith.addf %parallel_loop3A_120, %parallel_loop3A_122 : vector<16xf32>
      %parallel_loop3A_124 = arith.constant 0.000000e+00 : f32
      %parallel_loop3A_125 = vector.broadcast %parallel_loop3A_124 : f32 to vector<16xf32>
      %parallel_loop3A_126 = arith.maximumf %parallel_loop3A_123, %parallel_loop3A_125 : vector<16xf32>
      %parallel_loop3A_127 = arith.constant 3.100000e+01 : f32
      %parallel_loop3A_128 = vector.broadcast %parallel_loop3A_127 : f32 to vector<16xf32>
      %parallel_loop3A_129 = arith.minimumf %parallel_loop3A_126, %parallel_loop3A_128 : vector<16xf32>
      %parallel_loop3A_130 = arith.fptosi %parallel_loop3A_129 : vector<16xf32> to vector<16xi32>
      %parallel_loop3A_131 = tpu.vector_load_idx %arg5[%parallel_loop3A_130] : memref<32xf32, #tpu.memory_space<vmem>>[vector<16xi32>], vector<16xf32>,
      %parallel_loop3A_132 = arith.cmpf oge, %parallel_loop3A_117, %parallel_loop3A_131 : vector<16xf32>
      %parallel_loop3A_133 = arith.extui %parallel_loop3A_132 : vector<16xi1> to vector<16xi32>
      %parallel_loop3A_134 = arith.addi %parallel_loop3A_130, %parallel_loop3A_133 : vector<16xi32>
      %parallel_loop3A_135 = arith.index_cast %parallel_loop3A_110 : i32 to index
      %parallel_loop3A_136 = arith.index_cast %parallel_loop3A_114 : i32 to index
      %parallel_loop3A_137 = tpu.vector_load %arg8[%parallel_loop3A_135, %parallel_loop3A_136] {strides = array<i32>} : memref<8x4096xi32, #tpu.memory_space<vmem>>, vector<16xi32>,
      tpu.vector_store %arg8[%parallel_loop3A_135, %parallel_loop3A_136], %parallel_loop3A_134 {strides = array<i32>} : memref<8x4096xi32, #tpu.memory_space<vmem>>, vector<16xi32>,
    } {sc.loop_unroll_factor = 8 : i64, sc.parallel_access}
    %add3A_48 = arith.constant 8 : i32
    %add3A_49 = arith.addi %mul3A_2, %add3A_48 : i32
    %dma_start3A_50 = arith.constant 0 : i32
    %dma_start3A_51 = tpu.memref_slice %arg4[%add3A_49, %dma_start3A_50] : memref<1024x4096xi32, #tpu.memory_space<hbm>> -> memref<8x4096xi32, #tpu.memory_space<hbm>>
    %dma_start3A_52 = arith.constant 0 : i32
    %dma_start3A_53 = tpu.memref_slice %arg4[%add3A_49, %dma_start3A_52] : memref<1024x4096xi32, #tpu.memory_space<hbm>> -> memref<8x4096xi32, #tpu.memory_space<hbm>>
    tpu.enqueue_dma source(%arg8 : memref<8x4096xi32, #tpu.memory_space<vmem>>) target(%dma_start3A_53 : memref<8x4096xi32, #tpu.memory_space<hbm>>) target_semaphore(%arg11 : memref<!tpu.dma_semaphore, #tpu.memory_space<semaphore_mem>>)
    %add3A_54 = arith.constant 24 : i32
    %add3A_55 = arith.addi %mul3A_2, %add3A_54 : i32
    %dma_start3A_56 = arith.constant 0 : i32
    %dma_start3A_57 = tpu.memref_slice %arg2[%add3A_55, %dma_start3A_56] : memref<4096x4096xf32, #tpu.memory_space<hbm>> -> memref<8x4096xf32, #tpu.memory_space<hbm>>
    %dma_start3A_58 = arith.constant 0 : i32
    %dma_start3A_59 = tpu.memref_slice %arg2[%add3A_55, %dma_start3A_58] : memref<4096x4096xf32, #tpu.memory_space<hbm>> -> memref<8x4096xf32, #tpu.memory_space<hbm>>
    tpu.enqueue_dma source(%dma_start3A_59 : memref<8x4096xf32, #tpu.memory_space<hbm>>) target(%arg7 : memref<8x4096xf32, #tpu.memory_space<vmem>>) target_semaphore(%arg10 : memref<!tpu.dma_semaphore, #tpu.memory_space<semaphore_mem>>)
    %add3A_60 = arith.constant 16 : i32
    %add3A_61 = arith.addi %mul3A_2, %add3A_60 : i32
    %dma_wait3A_62 = arith.constant 0 : i32
    %dma_wait3A_63 = tpu.memref_slice %arg2[%add3A_61, %dma_wait3A_62] : memref<4096x4096xf32, #tpu.memory_space<hbm>> -> memref<8x4096xf32, #tpu.memory_space<hbm>>
    %dma_wait3A_64 = arith.constant 0 : i32
    %dma_wait3A_65 = tpu.memref_slice %arg2[%add3A_61, %dma_wait3A_64] : memref<4096x4096xf32, #tpu.memory_space<hbm>> -> memref<8x4096xf32, #tpu.memory_space<hbm>>
    tpu.wait_dma2 semaphore(%arg9 : memref<!tpu.dma_semaphore, #tpu.memory_space<semaphore_mem>>) src(%dma_wait3A_65 : memref<8x4096xf32, #tpu.memory_space<hbm>>) dst(%arg6 : memref<8x4096xf32, #tpu.memory_space<vmem>>)
    %add3A_66 = arith.constant 8 : i32
    %add3A_67 = arith.addi %mul3A_2, %add3A_66 : i32
    %dma_wait3A_68 = arith.constant 0 : i32
    %dma_wait3A_69 = tpu.memref_slice %arg4[%add3A_67, %dma_wait3A_68] : memref<1024x4096xi32, #tpu.memory_space<hbm>> -> memref<8x4096xi32, #tpu.memory_space<hbm>>
    %dma_wait3A_70 = arith.constant 0 : i32
    %dma_wait3A_71 = tpu.memref_slice %arg4[%add3A_67, %dma_wait3A_70] : memref<1024x4096xi32, #tpu.memory_space<hbm>> -> memref<8x4096xi32, #tpu.memory_space<hbm>>
    tpu.wait_dma2 semaphore(%arg11 : memref<!tpu.dma_semaphore, #tpu.memory_space<semaphore_mem>>) src(%arg8 : memref<8x4096xi32, #tpu.memory_space<vmem>>) dst(%dma_wait3A_71 : memref<8x4096xi32, #tpu.memory_space<hbm>>)
    %parallel_loop3A_72 = arith.constant 0 : i32
    %parallel_loop3A_73 = arith.constant 2048 : i32
    %parallel_loop3A_74 = arith.constant 1 : i32
    scf.for %parallel_loop3A_108 = %parallel_loop3A_72 to %parallel_loop3A_73 step %parallel_loop3A_74  : i32 {
      %parallel_loop3A_109 = arith.constant 8 : i32
      %parallel_loop3A_110 = arith.shrsi %parallel_loop3A_108, %parallel_loop3A_109 : i32
      %parallel_loop3A_111 = arith.constant 255 : i32
      %parallel_loop3A_112 = arith.andi %parallel_loop3A_108, %parallel_loop3A_111 : i32
      %parallel_loop3A_113 = arith.constant 16 : i32
      %parallel_loop3A_114 = arith.muli %parallel_loop3A_112, %parallel_loop3A_113 : i32
      %parallel_loop3A_115 = arith.index_cast %parallel_loop3A_110 : i32 to index
      %parallel_loop3A_116 = arith.index_cast %parallel_loop3A_114 : i32 to index
      %parallel_loop3A_117 = tpu.vector_load %arg6[%parallel_loop3A_115, %parallel_loop3A_116] {strides = array<i32>} : memref<8x4096xf32, #tpu.memory_space<vmem>>, vector<16xf32>,
      %parallel_loop3A_118 = arith.constant 5.000000e+00 : f32
      %parallel_loop3A_119 = vector.broadcast %parallel_loop3A_118 : f32 to vector<16xf32>
      %parallel_loop3A_120 = arith.mulf %parallel_loop3A_117, %parallel_loop3A_119 : vector<16xf32>
      %parallel_loop3A_121 = arith.constant 1.600000e+01 : f32
      %parallel_loop3A_122 = vector.broadcast %parallel_loop3A_121 : f32 to vector<16xf32>
      %parallel_loop3A_123 = arith.addf %parallel_loop3A_120, %parallel_loop3A_122 : vector<16xf32>
      %parallel_loop3A_124 = arith.constant 0.000000e+00 : f32
      %parallel_loop3A_125 = vector.broadcast %parallel_loop3A_124 : f32 to vector<16xf32>
      %parallel_loop3A_126 = arith.maximumf %parallel_loop3A_123, %parallel_loop3A_125 : vector<16xf32>
      %parallel_loop3A_127 = arith.constant 3.100000e+01 : f32
      %parallel_loop3A_128 = vector.broadcast %parallel_loop3A_127 : f32 to vector<16xf32>
      %parallel_loop3A_129 = arith.minimumf %parallel_loop3A_126, %parallel_loop3A_128 : vector<16xf32>
      %parallel_loop3A_130 = arith.fptosi %parallel_loop3A_129 : vector<16xf32> to vector<16xi32>
      %parallel_loop3A_131 = tpu.vector_load_idx %arg5[%parallel_loop3A_130] : memref<32xf32, #tpu.memory_space<vmem>>[vector<16xi32>], vector<16xf32>,
      %parallel_loop3A_132 = arith.cmpf oge, %parallel_loop3A_117, %parallel_loop3A_131 : vector<16xf32>
      %parallel_loop3A_133 = arith.extui %parallel_loop3A_132 : vector<16xi1> to vector<16xi32>
      %parallel_loop3A_134 = arith.addi %parallel_loop3A_130, %parallel_loop3A_133 : vector<16xi32>
      %parallel_loop3A_135 = arith.index_cast %parallel_loop3A_110 : i32 to index
      %parallel_loop3A_136 = arith.index_cast %parallel_loop3A_114 : i32 to index
      %parallel_loop3A_137 = tpu.vector_load %arg8[%parallel_loop3A_135, %parallel_loop3A_136] {strides = array<i32>} : memref<8x4096xi32, #tpu.memory_space<vmem>>, vector<16xi32>,
      tpu.vector_store %arg8[%parallel_loop3A_135, %parallel_loop3A_136], %parallel_loop3A_134 {strides = array<i32>} : memref<8x4096xi32, #tpu.memory_space<vmem>>, vector<16xi32>,
    } {sc.loop_unroll_factor = 8 : i64, sc.parallel_access}
    %add3A_75 = arith.constant 16 : i32
    %add3A_76 = arith.addi %mul3A_2, %add3A_75 : i32
    %dma_start3A_77 = arith.constant 0 : i32
    %dma_start3A_78 = tpu.memref_slice %arg4[%add3A_76, %dma_start3A_77] : memref<1024x4096xi32, #tpu.memory_space<hbm>> -> memref<8x4096xi32, #tpu.memory_space<hbm>>
    %dma_start3A_79 = arith.constant 0 : i32
    %dma_start3A_80 = tpu.memref_slice %arg4[%add3A_76, %dma_start3A_79] : memref<1024x4096xi32, #tpu.memory_space<hbm>> -> memref<8x4096xi32, #tpu.memory_space<hbm>>
    tpu.enqueue_dma source(%arg8 : memref<8x4096xi32, #tpu.memory_space<vmem>>) target(%dma_start3A_80 : memref<8x4096xi32, #tpu.memory_space<hbm>>) target_semaphore(%arg11 : memref<!tpu.dma_semaphore, #tpu.memory_space<semaphore_mem>>)
    %add3A_81 = arith.constant 24 : i32
    %add3A_82 = arith.addi %mul3A_2, %add3A_81 : i32
    %dma_wait3A_83 = arith.constant 0 : i32
    %dma_wait3A_84 = tpu.memref_slice %arg2[%add3A_82, %dma_wait3A_83] : memref<4096x4096xf32, #tpu.memory_space<hbm>> -> memref<8x4096xf32, #tpu.memory_space<hbm>>
    %dma_wait3A_85 = arith.constant 0 : i32
    %dma_wait3A_86 = tpu.memref_slice %arg2[%add3A_82, %dma_wait3A_85] : memref<4096x4096xf32, #tpu.memory_space<hbm>> -> memref<8x4096xf32, #tpu.memory_space<hbm>>
    tpu.wait_dma2 semaphore(%arg10 : memref<!tpu.dma_semaphore, #tpu.memory_space<semaphore_mem>>) src(%dma_wait3A_86 : memref<8x4096xf32, #tpu.memory_space<hbm>>) dst(%arg7 : memref<8x4096xf32, #tpu.memory_space<vmem>>)
    %add3A_87 = arith.constant 16 : i32
    %add3A_88 = arith.addi %mul3A_2, %add3A_87 : i32
    %dma_wait3A_89 = arith.constant 0 : i32
    %dma_wait3A_90 = tpu.memref_slice %arg4[%add3A_88, %dma_wait3A_89] : memref<1024x4096xi32, #tpu.memory_space<hbm>> -> memref<8x4096xi32, #tpu.memory_space<hbm>>
    %dma_wait3A_91 = arith.constant 0 : i32
    %dma_wait3A_92 = tpu.memref_slice %arg4[%add3A_88, %dma_wait3A_91] : memref<1024x4096xi32, #tpu.memory_space<hbm>> -> memref<8x4096xi32, #tpu.memory_space<hbm>>
    tpu.wait_dma2 semaphore(%arg11 : memref<!tpu.dma_semaphore, #tpu.memory_space<semaphore_mem>>) src(%arg8 : memref<8x4096xi32, #tpu.memory_space<vmem>>) dst(%dma_wait3A_92 : memref<8x4096xi32, #tpu.memory_space<hbm>>)
    %parallel_loop3A_93 = arith.constant 0 : i32
    %parallel_loop3A_94 = arith.constant 2048 : i32
    %parallel_loop3A_95 = arith.constant 1 : i32
    scf.for %parallel_loop3A_108 = %parallel_loop3A_93 to %parallel_loop3A_94 step %parallel_loop3A_95  : i32 {
      %parallel_loop3A_109 = arith.constant 8 : i32
      %parallel_loop3A_110 = arith.shrsi %parallel_loop3A_108, %parallel_loop3A_109 : i32
      %parallel_loop3A_111 = arith.constant 255 : i32
      %parallel_loop3A_112 = arith.andi %parallel_loop3A_108, %parallel_loop3A_111 : i32
      %parallel_loop3A_113 = arith.constant 16 : i32
      %parallel_loop3A_114 = arith.muli %parallel_loop3A_112, %parallel_loop3A_113 : i32
      %parallel_loop3A_115 = arith.index_cast %parallel_loop3A_110 : i32 to index
      %parallel_loop3A_116 = arith.index_cast %parallel_loop3A_114 : i32 to index
      %parallel_loop3A_117 = tpu.vector_load %arg7[%parallel_loop3A_115, %parallel_loop3A_116] {strides = array<i32>} : memref<8x4096xf32, #tpu.memory_space<vmem>>, vector<16xf32>,
      %parallel_loop3A_118 = arith.constant 5.000000e+00 : f32
      %parallel_loop3A_119 = vector.broadcast %parallel_loop3A_118 : f32 to vector<16xf32>
      %parallel_loop3A_120 = arith.mulf %parallel_loop3A_117, %parallel_loop3A_119 : vector<16xf32>
      %parallel_loop3A_121 = arith.constant 1.600000e+01 : f32
      %parallel_loop3A_122 = vector.broadcast %parallel_loop3A_121 : f32 to vector<16xf32>
      %parallel_loop3A_123 = arith.addf %parallel_loop3A_120, %parallel_loop3A_122 : vector<16xf32>
      %parallel_loop3A_124 = arith.constant 0.000000e+00 : f32
      %parallel_loop3A_125 = vector.broadcast %parallel_loop3A_124 : f32 to vector<16xf32>
      %parallel_loop3A_126 = arith.maximumf %parallel_loop3A_123, %parallel_loop3A_125 : vector<16xf32>
      %parallel_loop3A_127 = arith.constant 3.100000e+01 : f32
      %parallel_loop3A_128 = vector.broadcast %parallel_loop3A_127 : f32 to vector<16xf32>
      %parallel_loop3A_129 = arith.minimumf %parallel_loop3A_126, %parallel_loop3A_128 : vector<16xf32>
      %parallel_loop3A_130 = arith.fptosi %parallel_loop3A_129 : vector<16xf32> to vector<16xi32>
      %parallel_loop3A_131 = tpu.vector_load_idx %arg5[%parallel_loop3A_130] : memref<32xf32, #tpu.memory_space<vmem>>[vector<16xi32>], vector<16xf32>,
      %parallel_loop3A_132 = arith.cmpf oge, %parallel_loop3A_117, %parallel_loop3A_131 : vector<16xf32>
      %parallel_loop3A_133 = arith.extui %parallel_loop3A_132 : vector<16xi1> to vector<16xi32>
      %parallel_loop3A_134 = arith.addi %parallel_loop3A_130, %parallel_loop3A_133 : vector<16xi32>
      %parallel_loop3A_135 = arith.index_cast %parallel_loop3A_110 : i32 to index
      %parallel_loop3A_136 = arith.index_cast %parallel_loop3A_114 : i32 to index
      %parallel_loop3A_137 = tpu.vector_load %arg8[%parallel_loop3A_135, %parallel_loop3A_136] {strides = array<i32>} : memref<8x4096xi32, #tpu.memory_space<vmem>>, vector<16xi32>,
      tpu.vector_store %arg8[%parallel_loop3A_135, %parallel_loop3A_136], %parallel_loop3A_134 {strides = array<i32>} : memref<8x4096xi32, #tpu.memory_space<vmem>>, vector<16xi32>,
    } {sc.loop_unroll_factor = 8 : i64, sc.parallel_access}
    %add3A_96 = arith.constant 24 : i32
    %add3A_97 = arith.addi %mul3A_2, %add3A_96 : i32
    %dma_start3A_98 = arith.constant 0 : i32
    %dma_start3A_99 = tpu.memref_slice %arg4[%add3A_97, %dma_start3A_98] : memref<1024x4096xi32, #tpu.memory_space<hbm>> -> memref<8x4096xi32, #tpu.memory_space<hbm>>
    %dma_start3A_100 = arith.constant 0 : i32
    %dma_start3A_101 = tpu.memref_slice %arg4[%add3A_97, %dma_start3A_100] : memref<1024x4096xi32, #tpu.memory_space<hbm>> -> memref<8x4096xi32, #tpu.memory_space<hbm>>
    tpu.enqueue_dma source(%arg8 : memref<8x4096xi32, #tpu.memory_space<vmem>>) target(%dma_start3A_101 : memref<8x4096xi32, #tpu.memory_space<hbm>>) target_semaphore(%arg11 : memref<!tpu.dma_semaphore, #tpu.memory_space<semaphore_mem>>)
    %add3A_102 = arith.constant 24 : i32
    %add3A_103 = arith.addi %mul3A_2, %add3A_102 : i32
    %dma_wait3A_104 = arith.constant 0 : i32
    %dma_wait3A_105 = tpu.memref_slice %arg4[%add3A_103, %dma_wait3A_104] : memref<1024x4096xi32, #tpu.memory_space<hbm>> -> memref<8x4096xi32, #tpu.memory_space<hbm>>
    %dma_wait3A_106 = arith.constant 0 : i32
    %dma_wait3A_107 = tpu.memref_slice %arg4[%add3A_103, %dma_wait3A_106] : memref<1024x4096xi32, #tpu.memory_space<hbm>> -> memref<8x4096xi32, #tpu.memory_space<hbm>>
    tpu.wait_dma2 semaphore(%arg11 : memref<!tpu.dma_semaphore, #tpu.memory_space<semaphore_mem>>) src(%arg8 : memref<8x4096xi32, #tpu.memory_space<vmem>>) dst(%dma_wait3A_107 : memref<8x4096xi32, #tpu.memory_space<hbm>>)
    return
  }
}

module attributes {stable_mosaic.version = 14 : i64} {
  func.func @_tc_body(%arg0: i32, %arg1: memref<512x4096xf32, #tpu.memory_space<vmem>>, %arg2: memref<512x4096xi32, #tpu.memory_space<vmem>>) attributes {dimension_semantics = [#tpu.dimension_semantics<arbitrary>], iteration_bounds = array<i64: 6>, scalar_prefetch = 0 : i64, scratch_operands = 0 : i64, tpu.core_type = #tpu.core_type<tc>, window_params = [{transform_indices = @transform_0, window_bounds = array<i64: 512, 4096>}, {transform_indices = @transform_1, window_bounds = array<i64: 512, 4096>}]} {
    %get3A = arith.constant 0 : index
    %get3A_0 = arith.constant 0 : index
    %get3A_1 = vector.load %arg1[%get3A, %get3A_0] : memref<512x4096xf32, #tpu.memory_space<vmem>>, vector<512x4096xf32>
    %mul3A = arith.constant 5.000000e+00 : f32
    %mul3A_2 = vector.broadcast %mul3A : f32 to vector<512x4096xf32>
    %mul3A_3 = arith.mulf %get3A_1, %mul3A_2 : vector<512x4096xf32>
    %add3A = arith.constant 1.600000e+01 : f32
    %add3A_4 = vector.broadcast %add3A : f32 to vector<512x4096xf32>
    %add3A_5 = arith.addf %mul3A_3, %add3A_4 : vector<512x4096xf32>
    %max3A = arith.constant 0.000000e+00 : f32
    %max3A_6 = vector.broadcast %max3A : f32 to vector<512x4096xf32>
    %max3A_7 = arith.maximumf %add3A_5, %max3A_6 : vector<512x4096xf32>
    %min3A = arith.constant 3.100000e+01 : f32
    %min3A_8 = vector.broadcast %min3A : f32 to vector<512x4096xf32>
    %min3A_9 = arith.minimumf %max3A_7, %min3A_8 : vector<512x4096xf32>
    %convert_element_type3A = arith.fptosi %min3A_9 : vector<512x4096xf32> to vector<512x4096xi32>
    %convert_element_type3A_10 = arith.sitofp %convert_element_type3A : vector<512x4096xi32> to vector<512x4096xf32>
    %sub3A = arith.constant 1.550000e+01 : f32
    %sub3A_11 = vector.broadcast %sub3A : f32 to vector<512x4096xf32>
    %sub3A_12 = arith.subf %convert_element_type3A_10, %sub3A_11 : vector<512x4096xf32>
    %mul3A_13 = arith.constant 2.000000e-01 : f32
    %mul3A_14 = vector.broadcast %mul3A_13 : f32 to vector<512x4096xf32>
    %mul3A_15 = arith.mulf %sub3A_12, %mul3A_14 : vector<512x4096xf32>
    %shift_right_arithmetic3A = arith.constant -2075194847 : i32
    %shift_right_arithmetic3A_16 = vector.broadcast %shift_right_arithmetic3A : i32 to vector<512x4096xi32>
    %shift_right_arithmetic3A_17 = arith.shrsi %shift_right_arithmetic3A_16, %convert_element_type3A : vector<512x4096xi32>
    %and3A = arith.constant 1 : i32
    %and3A_18 = vector.broadcast %and3A : i32 to vector<512x4096xi32>
    %and3A_19 = arith.andi %shift_right_arithmetic3A_17, %and3A_18 : vector<512x4096xi32>
    %bitcast_convert_type3A = tpu.bitcast %mul3A_15 : vector<512x4096xf32> -> vector<512x4096xi32>
    %sub3A_20 = arith.subi %bitcast_convert_type3A, %and3A_19 : vector<512x4096xi32>
    %bitcast_convert_type3A_21 = tpu.bitcast %sub3A_20 : vector<512x4096xi32> -> vector<512x4096xf32>
    %ge3A = arith.cmpf oge, %get3A_1, %bitcast_convert_type3A_21 : vector<512x4096xf32>
    %convert_element_type3A_22 = arith.extui %ge3A : vector<512x4096xi1> to vector<512x4096xi32>
    %add3A_23 = arith.addi %convert_element_type3A, %convert_element_type3A_22 : vector<512x4096xi32>
    %swap3A = arith.constant 0 : index
    %swap3A_24 = arith.constant 0 : index
    %swap3A_25 = vector.load %arg2[%swap3A, %swap3A_24] : memref<512x4096xi32, #tpu.memory_space<vmem>>, vector<512x4096xi32>
    tpu.vector_store %arg2[%swap3A, %swap3A_24], %add3A_23 {strides = array<i32>} : memref<512x4096xi32, #tpu.memory_space<vmem>>, vector<512x4096xi32>,
    return
  }
  func.func @transform_0(%arg0: i32) -> (i32, i32) {
    %add3A = arith.constant 2 : i32
    %add3A_0 = arith.addi %arg0, %add3A : i32
    %c0_i32 = arith.constant 0 : i32
    %c0_i32_1 = arith.constant 0 : i32
    return %add3A_0, %c0_i32 : i32, i32
  }
  func.func @transform_1(%arg0: i32) -> (i32, i32) {
    %add3A = arith.constant 2 : i32
    %add3A_0 = arith.addi %arg0, %add3A : i32
    %c0_i32 = arith.constant 0 : i32
    %c0_i32_1 = arith.constant 0 : i32
    return %add3A_0, %c0_i32 : i32, i32
  }
}

</mosaic_0001>

<sc_bundles>
// kernel: _run.4.cloned.1.call-start
scs
__scs_entry_jumppad:
0x0: {  	(pc) =	sbr.rel $0x88, $3  }
0x1: {  	(tag) =	ssettag $0x0;
	lr =	simm.s32 $0x1  }
0x2: {  	[smem:$0x3F9F] =	sst lr;
	_ =	strace $0xD0000000  }
0x3: {  	_ = 	snop  }
0x4: {  	_ = 	snop  }
0x5: {  	_ = 	snop  }
0x6: {  	_ = 	snop  }
0x7: {  	_ = 	snop  }
__scs_overlays_trampoline_lowered:
0x8: {  	[smem:$0x3FAE] =	sst s0  }
0x9: {  	[smem:$0x3FAF] =	sst s1  }
0xa: {  	[smem:$0x3FB0] =	sst s2  }
0xb: {  	[smem:$0x3FB1] =	sst s3  }
0xc: {  	[smem:$0x3FB2] =	sst s4  }
0xd: {  	[smem:$0x3FB3] =	sst s5  }
0xe: {  	[smem:$0x3FB4] =	sst s6  }
0xf: {  	[smem:$0x3FB5] =	sst s7  }
0x10: {  	[smem:$0x3FB6] =	sst s8  }
0x11: {  	[smem:$0x3FB7] =	sst s9;
	s0 =	simm.s32 @!p0 $0x0  }
0x12: {  	s1 =	sld [smem:$0x3F9D];
	s0 =	simm.s32 @p0 $0x1  }
0x13: {  	[smem:$0x3FB8] =	sst s0;
	s0 =	simm.s32 @!p1 $0x0  }
0x14: {  	s2 =	sld [smem:$0x3F9C];
	s0 =	simm.s32 @p1 $0x1  }
0x15: {  	[smem:$0x3FB9] =	sst s0;
	s0 =	simm.s32 @!p2 $0x0  }
0x16: {  	s3 =	sld [smem:$0x3FDB];
	s0 =	simm.s32 @p2 $0x1  }
0x17: {  	s4 =	simm.s32 $0x1BF5;
	[smem:$0x3FBB] =	sst s0  }
0x18: {  	s0 =	sld [smem:$0x3F9E];
	_ =	swait.ge [sflag:s4], $0x0  }
0x19: {  	s7 =	sld [smem:$0x3F9F]  }
0x1a: {  	s8 =	sadd.s32 $0xFFFFE003, lr  }
0x1b: {  	s9 =	sadd.s32 $0xFFFFFEF7, lr;
	s5 =	simm.s32 $0xFFFFFFFF;
	p2 =	slt.u32 s8, $0xFFFFF086  }
0x1c: {  	p1 =	slt.u32 s9, $0xF7A;
	s5 =	simm.s32 @!p2 $0x0  }
0x1d: {  	s5 =	simm.s32 @p1 $0x1;
	p0 =	seq.s32 s7, s2  }
0x1e: {  	s7 =	smul.u32 @!p0 $0xF7A, s2;
	p2 =	seq.s32 @!p0 s5, $0x0  }
0x1f: {  	s9 =	smul.u32 $0xF7A, s1;
	s8 =	simm.s32 @!p0 $0x1BF5;
	p2 =	por !p2, p0  }
0x20: {  	[sflag:s8] =	ssyncset.s32 @!p0 $0xFFFFF086;
	s6 =	sadd.s32 @!p0 s3, s7;
	s7 =	simm.s32 @!p0 $0x108  }
0x21: {  	s3 =	sadd.s32 s3, s9;
	s6 =	sadd.s32 @!p0 $0x88, s6;
	s7 =	simm.s32 @p2 $0x1082  }
0x22: {  	[simem:s7], [sflag:s8] =	dma.local @!p0 [hbm:s6], $0xF7A  }
0x23: {  	s9 =	sor.u32 $0xD0000000, s2;
	s6 =	simm.s32 $0x108;
	_ =	swait.ge @!p0 [sflag:s8], $0x0  }
0x24: {  	s3 =	sadd.s32 $0x88, s3;
	s6 =	simm.s32 @!p1 $0x1082;
	[sflag:s4] =	ssyncset.s32 $0xFFFFF086  }
0x25: {  	[simem:s6], [sflag:s4] =	dma.local [hbm:s3], $0xF7A  }
0x26: {  	[smem:$0x3F9F] =	sst s1;
	(tag) =	ssettag s2;
	_ =	strace s9  }
0x27: {  	s1 =	sld [smem:$0x3FAF]  }
0x28: {  	s2 =	sld [smem:$0x3FB0]  }
0x29: {  	s4 =	sld [smem:$0x3FB2]  }
0x2a: {  	p0 =	seq.s32 s5, $0x0;
	s5 =	sld [smem:$0x3FB3]  }
0x2b: {  	s6 =	sld [smem:$0x3FB4]  }
0x2c: {  	s7 =	sld [smem:$0x3FB5]  }
0x2d: {  	s3 =	simm.s32 $0x108;
	s8 =	sld [smem:$0x3FB6]  }
0x2e: {  	s3 =	simm.s32 @!p0 $0x1082;
	s9 =	sld [smem:$0x3FB7]  }
0x2f: {  	lr =	sadd.s32 s0, s3;
	s0 =	sld [smem:$0x3FAE]  }
0x30: {  	s3 =	sld [smem:$0x3FB1]  }
0x31: {  	[smem:$0x3FBA] =	sst s10  }
0x32: {  	s10 =	sld [smem:$0x3FB8];
	_ =	sdelay $0x3  }
0x33: {  	p0 =	seq.s32 s10, $0x1;
	s10 =	sld [smem:$0x3FBA];
	_ =	sdelay $0x3  }
0x34: {  	[smem:$0x3FBA] =	sst s10  }
0x35: {  	s10 =	sld [smem:$0x3FB9];
	_ =	sdelay $0x3  }
0x36: {  	p1 =	seq.s32 s10, $0x1;
	s10 =	sld [smem:$0x3FBA];
	_ =	sdelay $0x3  }
0x37: {  	[smem:$0x3FBA] =	sst s10  }
0x38: {  	s10 =	sld [smem:$0x3FBB]  }
0x39: {  	_ = 	snop;
	(pc) =	sbr.ind lr, $3  }
0x3a: {  	_ = 	snop  }
0x3b: {  	_ = 	snop  }
0x3c: {  	p2 =	seq.s32 s10, $0x1;
	s10 =	sld [smem:$0x3FBA]  }
0x3d: {  	_ =	shalt  }
0x3e: {  	_ =	shalt  }
0x3f: {  	_ =	shalt  }
0x40: {  	_ =	shalt  }
0x41: {  	_ =	shalt  }
0x42: {  	_ =	shalt  }
0x43: {  	_ =	shalt  }
0x44: {  	_ =	shalt  }
0x45: {  	_ =	shalt  }
0x46: {  	_ =	shalt  }
0x47: {  	_ =	shalt  }
0x48: {  	_ =	shalt  }
0x49: {  	_ =	shalt  }
0x4a: {  	_ =	shalt  }
0x4b: {  	_ =	shalt  }
0x4c: {  	_ =	shalt  }
0x4d: {  	_ =	shalt  }
0x4e: {  	_ =	shalt  }
0x4f: {  	_ =	shalt  }
0x50: {  	_ =	shalt  }
0x51: {  	_ =	shalt  }
0x52: {  	_ =	shalt  }
0x53: {  	_ =	shalt  }
0x54: {  	_ =	shalt  }
0x55: {  	_ =	shalt  }
0x56: {  	_ =	shalt  }
0x57: {  	_ =	shalt  }
0x58: {  	_ =	shalt  }
0x59: {  	_ =	shalt  }
0x5a: {  	_ =	shalt  }
0x5b: {  	_ =	shalt  }
0x5c: {  	_ =	shalt  }
0x5d: {  	_ =	shalt  }
0x5e: {  	_ =	shalt  }
0x5f: {  	_ =	shalt  }
0x60: {  	_ =	shalt  }
0x61: {  	_ =	shalt  }
0x62: {  	_ =	shalt  }
0x63: {  	_ =	shalt  }
0x64: {  	_ =	shalt  }
0x65: {  	_ =	shalt  }
0x66: {  	_ =	shalt  }
0x67: {  	_ =	shalt  }
0x68: {  	_ =	shalt  }
0x69: {  	_ =	shalt  }
0x6a: {  	_ =	shalt  }
0x6b: {  	_ =	shalt  }
0x6c: {  	_ =	shalt  }
0x6d: {  	_ =	shalt  }
0x6e: {  	_ =	shalt  }
0x6f: {  	_ =	shalt  }
0x70: {  	_ =	shalt  }
0x71: {  	_ =	shalt  }
0x72: {  	_ =	shalt  }
0x73: {  	_ =	shalt  }
0x74: {  	_ =	shalt  }
0x75: {  	_ =	shalt  }
0x76: {  	_ =	shalt  }
0x77: {  	_ =	shalt  }
0x78: {  	_ =	shalt  }
0x79: {  	_ =	shalt  }
0x7a: {  	_ =	shalt  }
0x7b: {  	_ =	shalt  }
0x7c: {  	_ =	shalt  }
0x7d: {  	_ =	shalt  }
0x7e: {  	_ =	shalt  }
0x7f: {  	_ =	shalt  }
0x80: {  	_ =	shalt  }
0x81: {  	_ =	shalt  }
0x82: {  	_ =	shalt  }
0x83: {  	_ =	shalt  }
0x84: {  	_ =	shalt  }
0x85: {  	_ =	shalt  }
0x86: {  	_ =	shalt  }
0x87: {  	_ =	shalt  }
.Lfunc_end0:
.L_simem_size_0:
called_computation_lowered:
.L_overlay_start_0:
0x88: {  	s2 =	sld [smem:$0x3FD9]  }
0x89: {  	s3 =	sld [smem:$0x3FFE];
	_ =	sdelay $0x1  }
0x8a: {  	s1 =	srdreg.scid  }
0x8b: {  	s0 =	sand.u32 $0x1, s1  }
0x8c: {  	s17 =	sshll.u32 s0, $0xA;
	s2 =	sadd.s32 s3, s2  }
0x8d: {  	s2 =	sadd.s32 s2, s17  }
0x8e: {  	[smem:$0x3FC6] =	sst s2  }
0x8f: {  	_ = 	snop  }
0x90: {  	s2 =	sld [smem:$0x3FC9]  }
0x91: {  	s18 =	sld [smem:$0x3FC8];
	(tm) =	ssettm $0x1  }
0x92: {  	s4 =	sld [smem:$0x3FFB];
	_ =	sdelay $0x3  }
0x93: {  	_ =	strace s4  }
0x94: {  	s4 =	sld [smem:$0x3FFC];
	_ =	sdelay $0x3  }
0x95: {  	_ =	strace s4  }
0x96: {  	s4 =	sld [smem:$0x3FFD];
	_ =	sdelay $0x3  }
0x97: {  	_ =	strace s4  }
0x98: {  	_ =	strace $0x8FFFFFFF  }
0x99: {  	s19 =	sld [smem:$0x3FDB];
	_ =	sdelay $0x1  }
0x9a: {  	s5 =	simm.s32 $_scs_section_size  }
0x9b: {  	s6 =	simm.s32 $_size__tile_overlayer_lowered;
	s7 =	simm.s32 $_tile_overlayer_lowered  }
0x9c: {  	s22 =	simm.s32 $0x1BFF;
	s21 =	sshll.u32 s7, $0x1;
	s4 =	sadd.s32 s5, s19  }
0x9d: {  	s8 =	simm.s32 $0x0;
	s20 =	sshll.u32 s6, $0x1;
	s6 =	sadd.s32 s21, s4  }
0x9e: {  	[timem:s8], [sflag:s22] =	dma.local [hbm:s6], s20  }
0x9f: {  	_ =	swait.ge [sflag:s22], s20  }
0xa0: {  	s5 =	ssub.s32 $0x0, s20;
	[sflag:s22] =	ssyncset.done $0x0  }
0xa1: {  	[sflag:s22] =	ssyncadd.s32 s5;
	_ =	sdelay $0x1  }
0xa2: {  	s23 =	simm.s32 $0x1B8B  }
0xa3: {  	_ =	swait.ge [sflag:s23], $0x1  }
0xa4: {  	[sflag:s23] =	ssyncset.done $0x0  }
0xa5: {  	s25 =	simm.s32 $0x1B8E;
	s24 =	sld [smem:$0x3FFE];
	[sflag:s23] =	ssyncadd.s32 $0xFFFFFFFF  }
0xa6: {  	s26 =	simm.s32 $execute0_lowered;
	[smem:$0x3FD2] =	sst s25  }
0xa7: {  	s6 =	sshll.u32 s26, $0x1;
	_ =	strace $0x80000046;
	[dreg:$0x1] =	wrdreg $0xFFFFFFFF  }
0xa8: {  	s28 =	simm.s32 $_size_execute0_lowered;
	s4 =	sadd.s32 s4, s6;
	[dreg:$0x0] =	wrdreg $0x0  }
0xa9: {  	s6 =	sshll.u32 s28, $0x1;
	[dreg:$0x2] =	wrdreg s4  }
0xaa: {  	[dreg:$0x3] =	wrdreg s6  }
0xab: {  	[dreg:$0x4] =	wrdreg $0xC0  }
0xac: {  	_ =	task [dreg:s8], $0x5FFFF  }
0xad: {  	[dreg:$0x1] =	wrdreg $0xFFFFFFFF  }
0xae: {  	[dreg:$0x0] =	wrdreg $0x60  }
0xaf: {  	[dreg:$0x2] =	wrdreg s2  }
0xb0: {  	[dreg:$0x3] =	wrdreg s18  }
0xb1: {  	[dreg:$0x4] =	wrdreg s24  }
0xb2: {  	[dreg:$0x5] =	wrdreg $0x9  }
0xb3: {  	_ =	task.clear_ibuf [dreg:s8], $0x6FFFF;
	_ =	strace $0x90000046  }
0xb4: {  	s29 =	simm.s32 $0x9;
	_ =	strace $0x80000048  }
0xb5: {  	_ =	swait.ge [sflag:s29], $0x1  }
0xb6: {  	[sflag:s29] =	ssyncadd.s32 $0xFFFFFFFF  }
0xb7: {  	_ =	strace $0x90000048  }
0xb8: {  	_ =	sfence  }
0xb9: {  	s30 =	sld [smem:$0x0];
	_ =	sdelay $0x2  }
0xba: {  	s31 =	sshll.u32 s1, $0xD;
	s1 =	sshrl.u32 s1, $0x2  }
0xbb: {  	s3 =	sand.u32 $0x4000, s31;
	s1 =	sadd.s32 s1, s30  }
0xbc: {  	s0 =	sor.u32 s3, s0;
	s1 =	sshll.u32 s1, $0x11  }
0xbd: {  	s0 =	sor.u32 s1, s0  }
0xbe: {  	s0 =	sadd.s32 $0x8F2B, s0  }
0xbf: {  	[sflag:s0] =	ssyncadd.remote.s32 $0x1  }
0xc0: {  	_ =	sfence.sel $0xFFFF  }
0xc1: {  	[dreg:$0x0] =	wrdreg $0xFFFFFFFF;
	(pc) =	sbr.abs _section_cstart, $3  }
0xc2: {  	[dreg:$0x1] =	wrdreg $0xFFFFFFFF  }
0xc3: {  	_ =	task.clear_ibuf [dreg:s8], $0x2FFFF;
	_ =	strace $0x9FFFFFFF  }
0xc4: {  	(tm) =	ssettm $0x7FFFFFFF  }
0xc5: {  	_ =	shalt  }
tec
execute0_lowered:
.L_overlay_start_1:
0x0: {  	(tag) =	ssettag $0x1  }
0x1: {  	s9 =	rddreg [dreg:$0x0]  }
0x2: {  	s1 =	rddreg [dreg:$0x1]  }
0x3: {  	s4 =	rddreg [dreg:$0x2]  }
0x4: {  	s0 =	rddreg [dreg:$0x3]  }
0x5: {  	s3 =	simm.s32 $0x0;
	s5 =	srdreg.scid;
	s2 =	stileid.u32  }
0x6: {  	s15 =	simm.s32 $0x8080;
	s16 =	simm.s32 $0x1;
	s17 =	simm.s32 $0x10080  }
0x7: {  	s18 =	simm.s32 $0x2;
	s19 =	simm.s32 $0x3;
	s20 =	simm.s32 $0x0  }
0x8: {  	[smem:$0x7FF] =	sst s3;
	s5 =	sand.u32 $0x1, s5;
	s7 =	sshll.u32 s2, $0xF  }
0x9: {  	s11 =	sadd.s32 $0x400, s4;
	s6 =	ssub.s32 $0x2, s5;
	s5 =	sshll.u32 s5, $0xE  }
0xa: {  	_ =	strace $0x80000047;
	s31 =	sshrl.u32 s6, $0x1;
	s10 =	sor.u32 s5, s7  }
0xb: {  	s12 =	ssub.s32 s6, s31;
	s4 =	sadd.s32 s9, s10;
	s8 =	sor.u32 $0x1000, s10  }
0xc: {  	s6 =	sadd.s32 s11, s10;
	s13 =	sor.u32 $0x2000, s10;
	s14 =	sor.u32 $0x3000, s10  }
0xd: {  	s5 =	sadd.s32 s9, s8;
	s7 =	sadd.s32 s9, s13;
	s8 =	sadd.s32 s11, s8  }
0xe: {  	s9 =	sadd.s32 s9, s14;
	s10 =	sadd.s32 s11, s13;
	s11 =	sadd.s32 s11, s14  }
0xf: {  	v0 =	vimm.s32 $0x0;
	s12 =	smax.u32 s12, $0x1;
	s13 =	simm.s32 $0x4;
	s14 =	simm.s32 $0x80  }
.LBB2_1:
0x10: {  	[tilespmem:s3], [sflag:$0x4] =	stream.linear.gather [hbm4b:s1+s3], $0x80, $0x38;
	[tilespmem:$0x18080] =	vst v63  }
0x11: {  	_ =	swait.ge [sflag:s13], $0x80  }
0x12: {  	[sflag:s13] =	ssyncset.done $0x0  }
0x13: {  	[sflag:s13] =	ssyncadd.s32 $0xFFFFFF80  }
0x14: {  	[tilespmem:s14], [sflag:$0x1] =	stream.linear.gather [hbm4b:s4+s3], $0x8000, $0x38;
	[tilespmem:$0x18080] =	vst v63  }
0x15: {  	_ = 	snop  }
0x16: {  	[tilespmem:s15], [sflag:$0x2] =	stream.linear.gather [hbm4b:s5+s3], $0x8000, $0x38;
	[tilespmem:$0x18080] =	vst v63  }
0x17: {  	_ =	swait.ge [sflag:s16], $0x8000  }
0x18: {  	s21 =	sand.u32 $0x7C00, s3;
	s22 =	sand.u32 $0x380, s3;
	[sflag:s16] =	ssyncset.done $0x0  }
0x19: {  	s21 =	sor.u32 s22, s21;
	[sflag:s16] =	ssyncadd.s32 $0xFFFF8000  }
0x1a: {  	v11 =	vld [tilespmem:s21+$0xF0]  }
0x1b: {  	v20 =	vld [tilespmem:s21+$0x80]  }
0x1c: {  	v26 =	vld [tilespmem:s21+$0x90]  }
0x1d: {  	v33 =	vld [tilespmem:s21+$0xA0]  }
0x1e: {  	v4 =	vld [tilespmem:s21+$0xB0]  }
0x1f: {  	v3 =	vld [tilespmem:s21+$0xC0]  }
0x20: {  	v2 =	vld [tilespmem:s21+$0xD0];
	_ =	sdelay $0x1  }
0x21: {  	v1 =	vmul.f32 $5.000000000e+00, v11  }
0x22: {  	v5 =	vmul.f32 $5.000000000e+00, v20;
	v7 =	vmul.f32 $5.000000000e+00, v26  }
0x23: {  	v8 =	vmul.f32 $5.000000000e+00, v33;
	v9 =	vmul.f32 $5.000000000e+00, v4;
	v6 =	vadd.f32 $1.600000000e+01, v1  }
0x24: {  	v10 =	vmul.f32 $5.000000000e+00, v3;
	v12 =	vmul.f32 $5.000000000e+00, v2;
	v5 =	vadd.f32 $1.600000000e+01, v5  }
0x25: {  	v1 =	vld [tilespmem:s21+$0xE0];
	v7 =	vadd.f32 $1.600000000e+01, v7;
	v9 =	vadd.f32 $1.600000000e+01, v9;
	v6 =	vmax.f32 v6, $0.0e+00  }
0x26: {  	v12 =	vadd.f32 $1.600000000e+01, v12;
	v5 =	vmax.f32 v5, $0.0e+00;
	v6 =	vmin.f32 v6, $3.100000000e+01  }
0x27: {  	s31 =	simm.s32 $0x400;
	s23 =	simm.s32 $0x4;
	v7 =	vmax.f32 v7, $0.0e+00;
	v9 =	vmax.f32 v9, $0.0e+00;
	v6 =	vtrunc.f32 v6  }
0x28: {  	s22 =	sand.u32 $0x7C00, s31;
	s23 =	sand.u32 $0x380, s23;
	v12 =	vmax.f32 v12, $0.0e+00;
	v5 =	vmin.f32 v5, $3.100000000e+01;
	v21 =	vcvt.f32.s32 v6  }
0x29: {  	s22 =	sor.u32 s23, s22;
	v7 =	vmin.f32 v7, $3.100000000e+01;
	v9 =	vmin.f32 v9, $3.100000000e+01;
	v5 =	vtrunc.f32 v5  }
0x2a: {  	v19 =	vld [tilespmem:s22+$0xF0];
	v13 =	vtrunc.f32 v7;
	v6 =	vadd.f32 $1.600000000e+01, v10;
	v10 =	vmul.f32 $5.000000000e+00, v1  }
0x2b: {  	v17 =	vld [tilespmem:s22+$0xB0];
	v7 =	vmin.f32 v12, $3.100000000e+01;
	v9 =	vtrunc.f32 v9;
	v15 =	vcvt.f32.s32 v5  }
0x2c: {  	v22 =	vtrunc.f32 v7;
	v7 =	vld [tilespmem:s22+$0x80];
	v12 =	vcvt.f32.s32 v13;
	v10 =	vadd.f32 $1.600000000e+01, v10  }
0x2d: {  	v8 =	vadd.f32 $1.600000000e+01, v8;
	v5 =	vld [tilespmem:s22+$0x90];
	v13 =	vcvt.f32.s32 v9;
	v6 =	vmax.f32 v6, $0.0e+00  }
0x2e: {  	v9 =	vcvt.f32.s32 v22;
	v6 =	vmin.f32 v6, $3.100000000e+01;
	v10 =	vmax.f32 v10, $0.0e+00;
	v18 =	vld.idx.msk [tilespmem:v21+s3+$0x0], $0xffff  }
0x2f: {  	v22 =	vmul.f32 $5.000000000e+00, v19;
	v14 =	vtrunc.f32 v6;
	v6 =	vld [tilespmem:s22+$0xA0];
	v10 =	vmin.f32 v10, $3.100000000e+01  }
0x30: {  	v8 =	vmax.f32 v8, $0.0e+00;
	v23 =	vtrunc.f32 v10;
	v10 =	vcvt.f32.s32 v14;
	v14 =	vld [tilespmem:s22+$0xC0]  }
0x31: {  	v8 =	vmin.f32 v8, $3.100000000e+01;
	v22 =	vadd.f32 $1.600000000e+01, v22;
	v34 =	vld.idx.msk [tilespmem:v15+s3+$0x0], $0xffff  }
0x32: {  	v8 =	vtrunc.f32 v8;
	v35 =	vld.idx.msk [tilespmem:v12+s3+$0x0], $0xffff  }
0x33: {  	v16 =	vcvt.f32.s32 v8;
	v22 =	vmax.f32 v22, $0.0e+00;
	vm0 =	vge.f32 v11, v18;
	v11 =	vld [tilespmem:s22+$0xD0]  }
0x34: {  	v22 =	vmin.f32 v22, $3.100000000e+01;
	v8 =	vcvt.f32.s32 v23;
	v23 =	vmul.f32 $5.000000000e+00, v7;
	v18 =	vld [tilespmem:s22+$0xE0]  }
0x35: {  	v25 =	vmul.f32 $5.000000000e+00, v5;
	v22 =	vtrunc.f32 v22;
	v24 =	vsel vm0, $0x1, v0  }
0x36: {  	v23 =	vadd.f32 $1.600000000e+01, v23;
	v32 =	vadd.s32 v24, v21;
	v21 =	vmul.f32 $5.000000000e+00, v6  }
0x37: {  	vm1 =	vge.f32 v26, v35;
	v24 =	vadd.f32 $1.600000000e+01, v25;
	v25 =	vmul.f32 $5.000000000e+00, v17  }
0x38: {  	vm0 =	vge.f32 v20, v34;
	v27 =	vadd.f32 $1.600000000e+01, v21;
	v21 =	vmul.f32 $5.000000000e+00, v14  }
0x39: {  	v25 =	vadd.f32 $1.600000000e+01, v25;
	v28 =	vmul.f32 $5.000000000e+00, v11;
	v30 =	vmul.f32 $5.000000000e+00, v18  }
0x3a: {  	v29 =	vadd.f32 $1.600000000e+01, v21;
	v21 =	vcvt.f32.s32 v22;
	v22 =	vmax.f32 v23, $0.0e+00  }
0x3b: {  	v23 =	vmax.f32 v24, $0.0e+00;
	v27 =	vmax.f32 v27, $0.0e+00;
	v25 =	vmax.f32 v25, $0.0e+00  }
0x3c: {  	v36 =	vld.idx.msk [tilespmem:v16+s3+$0x0], $0xffff;
	v24 =	vadd.f32 $1.600000000e+01, v28;
	v28 =	vadd.f32 $1.600000000e+01, v30;
	v22 =	vmin.f32 v22, $3.100000000e+01  }
0x3d: {  	v23 =	vmin.f32 v23, $3.100000000e+01;
	v31 =	vmin.f32 v27, $3.100000000e+01;
	v37 =	vmin.f32 v25, $3.100000000e+01;
	v25 =	vld.idx.msk [tilespmem:v10+s3+$0x0], $0xffff  }
0x3e: {  	v29 =	vmax.f32 v29, $0.0e+00;
	v39 =	vtrunc.f32 v22;
	v30 =	vmax.f32 v24, $0.0e+00;
	v24 =	vld.idx.msk [tilespmem:v13+s3+$0x0], $0xffff  }
0x3f: {  	v27 =	vtrunc.f32 v23;
	v22 =	vld.idx.msk [tilespmem:v9+s3+$0x0], $0xffff;
	v31 =	vtrunc.f32 v31;
	v28 =	vmax.f32 v28, $0.0e+00  }
0x40: {  	v29 =	vmin.f32 v29, $3.100000000e+01;
	v20 =	vcvt.f32.s32 v39;
	v38 =	vmin.f32 v30, $3.100000000e+01;
	v26 =	vld.idx.msk [tilespmem:v21+s3+$0x0], $0xffff  }
0x41: {  	v23 =	vld.idx.msk [tilespmem:v8+s3+$0x0], $0xffff;
	v40 =	vmin.f32 v28, $3.100000000e+01;
	v28 =	vtrunc.f32 v37;
	v30 =	vtrunc.f32 v29  }
0x42: {  	s24 =	simm.s32 $0x800;
	s25 =	simm.s32 $0x8;
	s23 =	simm.s32 $0x8;
	vm2 =	vge.f32 v33, v36;
	[tilespmem:s21+$0x100F0] =	vst v32;
	v29 =	vtrunc.f32 v38;
	v32 =	vtrunc.f32 v40  }
.LBB2_2:
0x43: {  	s26 =	sand.u32 $0x7C00, s24;
	s28 =	sand.u32 $0x380, s25;
	s23 =	sadd.s32 $0x8, s23;
	v27 =	vcvt.f32.s32 v27;
	v31 =	vcvt.f32.s32 v31;
	vm3 =	vge.f32 v4, v24;
	v4 =	vmovc v17  }
0x44: {  	v24 =	vcvt.f32.s32 v28;
	v28 =	vcvt.f32.s32 v30;
	vm4 =	vge.f32 v3, v25;
	v3 =	vmovc v14;
	s26 =	sor.u32 s28, s26;
	p0 =	slt.u32 s23, $0x7F8  }
0x45: {  	v25 =	vcvt.f32.s32 v29;
	v29 =	vcvt.f32.s32 v32;
	vm5 =	vge.f32 v19, v26;
	v19 =	vld [tilespmem:s26+$0xF0]  }
0x46: {  	vm6 =	vge.f32 v1, v23;
	v1 =	vmovc v18;
	v14 =	vsel vm5, $0x1, v0;
	vm5 =	vge.f32 v2, v22;
	v2 =	vmovc v11;
	v30 =	vld [tilespmem:s26+$0x80]  }
0x47: {  	v18 =	vsel vm1, $0x1, v0;
	v11 =	vadd.s32 v14, v21;
	v14 =	vsel vm0, $0x1, v0;
	v32 =	vld [tilespmem:s26+$0x90]  }
0x48: {  	v22 =	vsel vm4, $0x1, v0;
	v21 =	vsel vm3, $0x1, v0;
	v33 =	vld [tilespmem:s26+$0xA0];
	[tilespmem:s22+$0x100F0] =	vst v11;
	v11 =	vsel vm2, $0x1, v0  }
0x49: {  	v34 =	vsel vm6, $0x1, v0;
	v26 =	vsel vm5, $0x1, v0;
	v23 =	vadd.s32 v14, v15;
	v15 =	vmovc v20;
	v17 =	vld [tilespmem:s26+$0xB0]  }
0x4a: {  	v18 =	vadd.s32 v18, v12;
	v12 =	vmovc v27;
	v14 =	vld [tilespmem:s26+$0xC0];
	v35 =	vmul.f32 $5.000000000e+00, v19;
	[tilespmem:s21+$0x10080] =	vst v23;
	v23 =	vadd.s32 v11, v16  }
0x4b: {  	v22 =	vadd.s32 v22, v10;
	v21 =	vadd.s32 v21, v13;
	v16 =	vmovc v31;
	v36 =	vmul.f32 $5.000000000e+00, v30;
	v11 =	vld [tilespmem:s26+$0xD0];
	[tilespmem:s21+$0x10090] =	vst v18  }
0x4c: {  	v10 =	vmovc v28;
	v13 =	vmovc v24;
	v37 =	vmul.f32 $5.000000000e+00, v32;
	v18 =	vld [tilespmem:s26+$0xE0];
	v35 =	vadd.f32 $1.600000000e+01, v35;
	[tilespmem:s21+$0x100A0] =	vst v23;
	v23 =	vadd.s32 v26, v9  }
0x4d: {  	v9 =	vmovc v25;
	v26 =	vadd.f32 $1.600000000e+01, v36;
	v28 =	vmul.f32 $5.000000000e+00, v33;
	v20 =	vld.idx.msk [tilespmem:v20+s3+$0x0], $0xffff;
	[tilespmem:s21+$0x100B0] =	vst v21;
	v21 =	vadd.s32 v34, v8  }
0x4e: {  	v8 =	vmovc v29;
	v34 =	vadd.f32 $1.600000000e+01, v37;
	v25 =	vmul.f32 $5.000000000e+00, v17;
	v35 =	vmax.f32 v35, $0.0e+00;
	v36 =	vld.idx.msk [tilespmem:v27+s3+$0x0], $0xffff;
	[tilespmem:s21+$0x100C0] =	vst v22  }
0x4f: {  	v27 =	vadd.f32 $1.600000000e+01, v28;
	v22 =	vmul.f32 $5.000000000e+00, v14;
	v28 =	vmin.f32 v35, $3.100000000e+01;
	v35 =	vld.idx.msk [tilespmem:v31+s3+$0x0], $0xffff;
	[tilespmem:s21+$0x100D0] =	vst v23  }
0x50: {  	v23 =	vadd.f32 $1.600000000e+01, v25;
	v29 =	vmul.f32 $5.000000000e+00, v11;
	v25 =	vtrunc.f32 v28;
	v24 =	vld.idx.msk [tilespmem:v24+s3+$0x0], $0xffff;
	[tilespmem:s21+$0x100E0] =	vst v21;
	s21 =	smov.u32 s22;
	s22 =	smov.u32 s26  }
0x51: {  	v28 =	vadd.f32 $1.600000000e+01, v22;
	v31 =	vmul.f32 $5.000000000e+00, v18;
	v21 =	vcvt.f32.s32 v25;
	v25 =	vld.idx.msk [tilespmem:v10+s3+$0x0], $0xffff  }
0x52: {  	v26 =	vmax.f32 v26, $0.0e+00;
	v34 =	vmax.f32 v34, $0.0e+00;
	v29 =	vadd.f32 $1.600000000e+01, v29;
	v22 =	vld.idx.msk [tilespmem:v9+s3+$0x0], $0xffff  }
0x53: {  	v27 =	vmax.f32 v27, $0.0e+00;
	v37 =	vmax.f32 v23, $0.0e+00;
	v31 =	vadd.f32 $1.600000000e+01, v31;
	v23 =	vld.idx.msk [tilespmem:v8+s3+$0x0], $0xffff  }
0x54: {  	v26 =	vmin.f32 v26, $3.100000000e+01;
	v28 =	vmax.f32 v28, $0.0e+00;
	v29 =	vmax.f32 v29, $0.0e+00  }
0x55: {  	v34 =	vmin.f32 v34, $3.100000000e+01;
	v38 =	vmin.f32 v27, $3.100000000e+01;
	v31 =	vmax.f32 v31, $0.0e+00  }
.Ltmp0:
0x56: {  	v37 =	vmin.f32 v37, $3.100000000e+01;
	v39 =	vmin.f32 v28, $3.100000000e+01;
	v29 =	vmin.f32 v29, $3.100000000e+01;
	(pc) =	sbr.rel @p0 .LBB2_2-.Ltmp0, $4  }
0x57: {  	v40 =	vtrunc.f32 v26;
	v27 =	vtrunc.f32 v34;
	v34 =	vmin.f32 v31, $3.100000000e+01;
	v26 =	vld.idx.msk [tilespmem:v21+s3+$0x0], $0xffff  }
0x58: {  	vm0 =	vge.f32 v7, v20;
	v7 =	vmovc v30;
	v28 =	vtrunc.f32 v37;
	v31 =	vtrunc.f32 v38  }
0x59: {  	vm1 =	vge.f32 v5, v36;
	v5 =	vmovc v32;
	v30 =	vtrunc.f32 v39;
	v29 =	vtrunc.f32 v29  }
0x5a: {  	s24 =	sadd.s32 $0x400, s24;
	s25 =	sadd.s32 $0x4, s25;
	v20 =	vcvt.f32.s32 v40;
	vm2 =	vge.f32 v6, v35;
	v6 =	vmovc v33;
	v32 =	vtrunc.f32 v34  }
0x5b: {  	v27 =	vcvt.f32.s32 v27  }
0x5c: {  	v31 =	vcvt.f32.s32 v31  }
0x5d: {  	v28 =	vcvt.f32.s32 v28;
	vm3 =	vge.f32 v19, v26  }
0x5e: {  	v19 =	vcvt.f32.s32 v30;
	v26 =	vsel vm3, $0x1, v0  }
0x5f: {  	v29 =	vcvt.f32.s32 v29;
	v21 =	vadd.s32 v26, v21;
	v26 =	vsel vm0, $0x1, v0  }
0x60: {  	v62 =	vsel vm1, $0x1, v0;
	v30 =	vcvt.f32.s32 v32;
	[tilespmem:s22+$0x100F0] =	vst v21;
	v15 =	vadd.s32 v26, v15;
	v21 =	vld.idx.msk [tilespmem:v20+s3+$0x0], $0xffff  }
0x61: {  	v12 =	vadd.s32 v62, v12;
	vm0 =	vge.f32 v4, v24;
	v4 =	vsel vm2, $0x1, v0;
	[tilespmem:s21+$0x10080] =	vst v15;
	v15 =	vld.idx.msk [tilespmem:v27+s3+$0x0], $0xffff  }
0x62: {  	vm1 =	vge.f32 v3, v25;
	[tilespmem:s21+$0x10090] =	vst v12;
	v3 =	vsel vm0, $0x1, v0;
	v4 =	vadd.s32 v4, v16;
	v12 =	vld.idx.msk [tilespmem:v31+s3+$0x0], $0xffff  }
0x63: {  	vm0 =	vge.f32 v2, v22;
	v2 =	vsel vm1, $0x1, v0;
	v3 =	vadd.s32 v3, v13;
	[tilespmem:s21+$0x100A0] =	vst v4;
	v4 =	vld.idx.msk [tilespmem:v28+s3+$0x0], $0xffff  }
0x64: {  	vm1 =	vge.f32 v1, v23;
	v1 =	vsel vm0, $0x1, v0;
	v2 =	vadd.s32 v2, v10;
	[tilespmem:s21+$0x100B0] =	vst v3;
	v3 =	vld.idx.msk [tilespmem:v19+s3+$0x0], $0xffff  }
0x65: {  	v10 =	vsel vm1, $0x1, v0;
	v1 =	vadd.s32 v1, v9;
	[tilespmem:s21+$0x100C0] =	vst v2;
	v2 =	vld.idx.msk [tilespmem:v29+s3+$0x0], $0xffff;
	vm0 =	vge.f32 v7, v21  }
0x66: {  	[tilespmem:s21+$0x100D0] =	vst v1;
	v1 =	vld.idx.msk [tilespmem:v30+s3+$0x0], $0xffff;
	v7 =	vadd.s32 v10, v8;
	vm1 =	vge.f32 v5, v15;
	v5 =	vsel vm0, $0x1, v0  }
0x67: {  	[tilespmem:s21+$0x100E0] =	vst v7;
	vm0 =	vge.f32 v6, v12;
	v6 =	vsel vm1, $0x1, v0;
	v5 =	vadd.s32 v5, v20  }
0x68: {  	vm1 =	vge.f32 v17, v4;
	v4 =	vsel vm0, $0x1, v0;
	[tilespmem:s22+$0x10080] =	vst v5;
	v5 =	vadd.s32 v6, v27  }
0x69: {  	vm0 =	vge.f32 v14, v3;
	v3 =	vsel vm1, $0x1, v0;
	v4 =	vadd.s32 v4, v31;
	[tilespmem:s22+$0x10090] =	vst v5  }
0x6a: {  	vm1 =	vge.f32 v11, v2;
	v2 =	vsel vm0, $0x1, v0;
	v3 =	vadd.s32 v3, v28;
	[tilespmem:s22+$0x100A0] =	vst v4  }
0x6b: {  	vm0 =	vge.f32 v18, v1;
	v1 =	vsel vm1, $0x1, v0;
	v2 =	vadd.s32 v2, v19;
	[tilespmem:s22+$0x100B0] =	vst v3  }
0x6c: {  	v3 =	vsel vm0, $0x1, v0;
	v1 =	vadd.s32 v1, v29;
	[tilespmem:s22+$0x100C0] =	vst v2  }
0x6d: {  	v2 =	vadd.s32 v3, v30;
	[tilespmem:s22+$0x100D0] =	vst v1  }
0x6e: {  	s29 =	simm.s32 $0x0;
	[tilespmem:s22+$0x100E0] =	vst v2  }
0x6f: {  	[hbm4b:s6+s29] =	stream.linear.scatter [tilespmem:s17], [sflag:$0x3], $0x8000, $0x38;
	[tilespmem:$0x18080] =	vst v63  }
0x70: {  	_ = 	snop  }
0x71: {  	[tilespmem:s14], [sflag:$0x1] =	stream.linear.gather [hbm4b:s7+s29], $0x8000, $0x38;
	[tilespmem:$0x18080] =	vst v63  }
0x72: {  	_ =	swait.ge [sflag:s18], $0x8000  }
0x73: {  	[sflag:s18] =	ssyncset.done $0x0  }
0x74: {  	[sflag:s18] =	ssyncadd.s32 $0xFFFF8000  }
0x75: {  	_ =	swait.ge [sflag:s19], $0x8000  }
0x76: {  	s30 =	sand.u32 $0x7C00, s29;
	s21 =	sand.u32 $0x380, s29;
	[sflag:s19] =	ssyncset.done $0x0  }
0x77: {  	s21 =	sor.u32 s21, s30;
	[sflag:s19] =	ssyncadd.s32 $0xFFFF8000  }
0x78: {  	v11 =	vld [tilespmem:s21+$0x80F0]  }
0x79: {  	v20 =	vld [tilespmem:s21+$0x8080]  }
0x7a: {  	v26 =	vld [tilespmem:s21+$0x8090]  }
0x7b: {  	v33 =	vld [tilespmem:s21+$0x80A0]  }
0x7c: {  	v4 =	vld [tilespmem:s21+$0x80B0]  }
0x7d: {  	v3 =	vld [tilespmem:s21+$0x80C0]  }
0x7e: {  	v2 =	vld [tilespmem:s21+$0x80D0];
	_ =	sdelay $0x1  }
0x7f: {  	v1 =	vmul.f32 $5.000000000e+00, v11  }
0x80: {  	v5 =	vmul.f32 $5.000000000e+00, v20;
	v7 =	vmul.f32 $5.000000000e+00, v26  }
0x81: {  	v8 =	vmul.f32 $5.000000000e+00, v33;
	v9 =	vmul.f32 $5.000000000e+00, v4;
	v6 =	vadd.f32 $1.600000000e+01, v1  }
0x82: {  	v10 =	vmul.f32 $5.000000000e+00, v3;
	v12 =	vmul.f32 $5.000000000e+00, v2;
	v5 =	vadd.f32 $1.600000000e+01, v5  }
0x83: {  	v1 =	vld [tilespmem:s21+$0x80E0];
	v7 =	vadd.f32 $1.600000000e+01, v7;
	v9 =	vadd.f32 $1.600000000e+01, v9;
	v6 =	vmax.f32 v6, $0.0e+00  }
0x84: {  	v12 =	vadd.f32 $1.600000000e+01, v12;
	v5 =	vmax.f32 v5, $0.0e+00;
	v6 =	vmin.f32 v6, $3.100000000e+01  }
0x85: {  	s31 =	simm.s32 $0x400;
	s23 =	simm.s32 $0x4;
	v7 =	vmax.f32 v7, $0.0e+00;
	v9 =	vmax.f32 v9, $0.0e+00;
	v6 =	vtrunc.f32 v6  }
0x86: {  	s23 =	sand.u32 $0x380, s23;
	s22 =	sand.u32 $0x7C00, s31;
	v12 =	vmax.f32 v12, $0.0e+00;
	v5 =	vmin.f32 v5, $3.100000000e+01;
	v21 =	vcvt.f32.s32 v6  }
0x87: {  	s22 =	sor.u32 s23, s22;
	v7 =	vmin.f32 v7, $3.100000000e+01;
	v9 =	vmin.f32 v9, $3.100000000e+01;
	v5 =	vtrunc.f32 v5  }
0x88: {  	v19 =	vld [tilespmem:s22+$0x80F0];
	v13 =	vtrunc.f32 v7;
	v6 =	vadd.f32 $1.600000000e+01, v10;
	v10 =	vmul.f32 $5.000000000e+00, v1  }
0x89: {  	v17 =	vld [tilespmem:s22+$0x80B0];
	v7 =	vmin.f32 v12, $3.100000000e+01;
	v9 =	vtrunc.f32 v9;
	v15 =	vcvt.f32.s32 v5  }
0x8a: {  	v22 =	vtrunc.f32 v7;
	v7 =	vld [tilespmem:s22+$0x8080];
	v12 =	vcvt.f32.s32 v13;
	v10 =	vadd.f32 $1.600000000e+01, v10  }
0x8b: {  	v8 =	vadd.f32 $1.600000000e+01, v8;
	v5 =	vld [tilespmem:s22+$0x8090];
	v13 =	vcvt.f32.s32 v9;
	v6 =	vmax.f32 v6, $0.0e+00  }
0x8c: {  	v9 =	vcvt.f32.s32 v22;
	v6 =	vmin.f32 v6, $3.100000000e+01;
	v10 =	vmax.f32 v10, $0.0e+00;
	v18 =	vld.idx.msk [tilespmem:v21+s3+$0x0], $0xffff  }
0x8d: {  	v22 =	vmul.f32 $5.000000000e+00, v19;
	v14 =	vtrunc.f32 v6;
	v6 =	vld [tilespmem:s22+$0x80A0];
	v10 =	vmin.f32 v10, $3.100000000e+01  }
0x8e: {  	v8 =	vmax.f32 v8, $0.0e+00;
	v23 =	vtrunc.f32 v10;
	v10 =	vcvt.f32.s32 v14;
	v14 =	vld [tilespmem:s22+$0x80C0]  }
0x8f: {  	v8 =	vmin.f32 v8, $3.100000000e+01;
	v22 =	vadd.f32 $1.600000000e+01, v22;
	v34 =	vld.idx.msk [tilespmem:v15+s3+$0x0], $0xffff  }
0x90: {  	v8 =	vtrunc.f32 v8;
	v35 =	vld.idx.msk [tilespmem:v12+s3+$0x0], $0xffff  }
0x91: {  	v16 =	vcvt.f32.s32 v8;
	v22 =	vmax.f32 v22, $0.0e+00;
	vm0 =	vge.f32 v11, v18;
	v11 =	vld [tilespmem:s22+$0x80D0]  }
0x92: {  	v22 =	vmin.f32 v22, $3.100000000e+01;
	v8 =	vcvt.f32.s32 v23;
	v23 =	vmul.f32 $5.000000000e+00, v7;
	v18 =	vld [tilespmem:s22+$0x80E0]  }
0x93: {  	v25 =	vmul.f32 $5.000000000e+00, v5;
	v22 =	vtrunc.f32 v22;
	v24 =	vsel vm0, $0x1, v0  }
0x94: {  	v23 =	vadd.f32 $1.600000000e+01, v23;
	v63 =	vadd.s32 v24, v21;
	v21 =	vmul.f32 $5.000000000e+00, v6  }
0x95: {  	vm1 =	vge.f32 v26, v35;
	v24 =	vadd.f32 $1.600000000e+01, v25;
	v25 =	vmul.f32 $5.000000000e+00, v17  }
0x96: {  	vm0 =	vge.f32 v20, v34;
	v27 =	vadd.f32 $1.600000000e+01, v21;
	v21 =	vmul.f32 $5.000000000e+00, v14  }
0x97: {  	v25 =	vadd.f32 $1.600000000e+01, v25;
	v28 =	vmul.f32 $5.000000000e+00, v11;
	v30 =	vmul.f32 $5.000000000e+00, v18  }
0x98: {  	v29 =	vadd.f32 $1.600000000e+01, v21;
	v21 =	vcvt.f32.s32 v22;
	v22 =	vmax.f32 v23, $0.0e+00  }
0x99: {  	v23 =	vmax.f32 v24, $0.0e+00;
	v27 =	vmax.f32 v27, $0.0e+00;
	v25 =	vmax.f32 v25, $0.0e+00  }
0x9a: {  	v36 =	vld.idx.msk [tilespmem:v16+s3+$0x0], $0xffff;
	v24 =	vadd.f32 $1.600000000e+01, v28;
	v28 =	vadd.f32 $1.600000000e+01, v30;
	v22 =	vmin.f32 v22, $3.100000000e+01  }
0x9b: {  	v23 =	vmin.f32 v23, $3.100000000e+01;
	v31 =	vmin.f32 v27, $3.100000000e+01;
	v37 =	vmin.f32 v25, $3.100000000e+01;
	v25 =	vld.idx.msk [tilespmem:v10+s3+$0x0], $0xffff  }
0x9c: {  	v29 =	vmax.f32 v29, $0.0e+00;
	v39 =	vtrunc.f32 v22;
	v30 =	vmax.f32 v24, $0.0e+00;
	v24 =	vld.idx.msk [tilespmem:v13+s3+$0x0], $0xffff  }
0x9d: {  	v27 =	vtrunc.f32 v23;
	v22 =	vld.idx.msk [tilespmem:v9+s3+$0x0], $0xffff;
	v31 =	vtrunc.f32 v31;
	v28 =	vmax.f32 v28, $0.0e+00  }
0x9e: {  	v29 =	vmin.f32 v29, $3.100000000e+01;
	v20 =	vcvt.f32.s32 v39;
	v38 =	vmin.f32 v30, $3.100000000e+01;
	v26 =	vld.idx.msk [tilespmem:v21+s3+$0x0], $0xffff  }
0x9f: {  	v23 =	vld.idx.msk [tilespmem:v8+s3+$0x0], $0xffff;
	v40 =	vmin.f32 v28, $3.100000000e+01;
	v28 =	vtrunc.f32 v37;
	v30 =	vtrunc.f32 v29  }
0xa0: {  	s24 =	simm.s32 $0x800;
	s25 =	simm.s32 $0x8;
	s23 =	simm.s32 $0x8;
	vm2 =	vge.f32 v33, v36;
	[tilespmem:s21+$0x100F0] =	vst v63;
	v29 =	vtrunc.f32 v38;
	v32 =	vtrunc.f32 v40  }
.LBB2_4:
0xa1: {  	s26 =	sand.u32 $0x7C00, s24;
	s28 =	sand.u32 $0x380, s25;
	s23 =	sadd.s32 $0x8, s23;
	v27 =	vcvt.f32.s32 v27;
	v31 =	vcvt.f32.s32 v31;
	vm3 =	vge.f32 v4, v24;
	v4 =	vmovc v17  }
0xa2: {  	v24 =	vcvt.f32.s32 v28;
	v28 =	vcvt.f32.s32 v30;
	vm4 =	vge.f32 v3, v25;
	v3 =	vmovc v14;
	s26 =	sor.u32 s28, s26;
	p0 =	slt.u32 s23, $0x7F8  }
0xa3: {  	v25 =	vcvt.f32.s32 v29;
	v29 =	vcvt.f32.s32 v32;
	vm5 =	vge.f32 v19, v26;
	v19 =	vld [tilespmem:s26+$0x80F0]  }
0xa4: {  	vm6 =	vge.f32 v1, v23;
	v1 =	vmovc v18;
	v14 =	vsel vm5, $0x1, v0;
	vm5 =	vge.f32 v2, v22;
	v2 =	vmovc v11;
	v30 =	vld [tilespmem:s26+$0x8080]  }
0xa5: {  	v18 =	vsel vm1, $0x1, v0;
	v11 =	vadd.s32 v14, v21;
	v14 =	vsel vm0, $0x1, v0;
	v32 =	vld [tilespmem:s26+$0x8090]  }
0xa6: {  	v22 =	vsel vm4, $0x1, v0;
	v21 =	vsel vm3, $0x1, v0;
	v33 =	vld [tilespmem:s26+$0x80A0];
	[tilespmem:s22+$0x100F0] =	vst v11;
	v11 =	vsel vm2, $0x1, v0  }
0xa7: {  	v34 =	vsel vm6, $0x1, v0;
	v26 =	vsel vm5, $0x1, v0;
	v23 =	vadd.s32 v14, v15;
	v15 =	vmovc v20;
	v17 =	vld [tilespmem:s26+$0x80B0]  }
0xa8: {  	v18 =	vadd.s32 v18, v12;
	v12 =	vmovc v27;
	v14 =	vld [tilespmem:s26+$0x80C0];
	v35 =	vmul.f32 $5.000000000e+00, v19;
	[tilespmem:s21+$0x10080] =	vst v23;
	v23 =	vadd.s32 v11, v16  }
0xa9: {  	v22 =	vadd.s32 v22, v10;
	v21 =	vadd.s32 v21, v13;
	v16 =	vmovc v31;
	v36 =	vmul.f32 $5.000000000e+00, v30;
	v11 =	vld [tilespmem:s26+$0x80D0];
	[tilespmem:s21+$0x10090] =	vst v18  }
0xaa: {  	v10 =	vmovc v28;
	v13 =	vmovc v24;
	v37 =	vmul.f32 $5.000000000e+00, v32;
	v18 =	vld [tilespmem:s26+$0x80E0];
	v35 =	vadd.f32 $1.600000000e+01, v35;
	[tilespmem:s21+$0x100A0] =	vst v23;
	v23 =	vadd.s32 v26, v9  }
0xab: {  	v9 =	vmovc v25;
	v26 =	vadd.f32 $1.600000000e+01, v36;
	v28 =	vmul.f32 $5.000000000e+00, v33;
	v20 =	vld.idx.msk [tilespmem:v20+s3+$0x0], $0xffff;
	[tilespmem:s21+$0x100B0] =	vst v21;
	v21 =	vadd.s32 v34, v8  }
0xac: {  	v8 =	vmovc v29;
	v34 =	vadd.f32 $1.600000000e+01, v37;
	v25 =	vmul.f32 $5.000000000e+00, v17;
	v35 =	vmax.f32 v35, $0.0e+00;
	v36 =	vld.idx.msk [tilespmem:v27+s3+$0x0], $0xffff;
	[tilespmem:s21+$0x100C0] =	vst v22  }
0xad: {  	v27 =	vadd.f32 $1.600000000e+01, v28;
	v22 =	vmul.f32 $5.000000000e+00, v14;
	v28 =	vmin.f32 v35, $3.100000000e+01;
	v35 =	vld.idx.msk [tilespmem:v31+s3+$0x0], $0xffff;
	[tilespmem:s21+$0x100D0] =	vst v23  }
0xae: {  	v23 =	vadd.f32 $1.600000000e+01, v25;
	v29 =	vmul.f32 $5.000000000e+00, v11;
	v25 =	vtrunc.f32 v28;
	v24 =	vld.idx.msk [tilespmem:v24+s3+$0x0], $0xffff;
	[tilespmem:s21+$0x100E0] =	vst v21;
	s21 =	smov.u32 s22;
	s22 =	smov.u32 s26  }
0xaf: {  	v28 =	vadd.f32 $1.600000000e+01, v22;
	v31 =	vmul.f32 $5.000000000e+00, v18;
	v21 =	vcvt.f32.s32 v25;
	v25 =	vld.idx.msk [tilespmem:v10+s3+$0x0], $0xffff  }
0xb0: {  	v26 =	vmax.f32 v26, $0.0e+00;
	v34 =	vmax.f32 v34, $0.0e+00;
	v29 =	vadd.f32 $1.600000000e+01, v29;
	v22 =	vld.idx.msk [tilespmem:v9+s3+$0x0], $0xffff  }
0xb1: {  	v27 =	vmax.f32 v27, $0.0e+00;
	v37 =	vmax.f32 v23, $0.0e+00;
	v31 =	vadd.f32 $1.600000000e+01, v31;
	v23 =	vld.idx.msk [tilespmem:v8+s3+$0x0], $0xffff  }
0xb2: {  	v26 =	vmin.f32 v26, $3.100000000e+01;
	v28 =	vmax.f32 v28, $0.0e+00;
	v29 =	vmax.f32 v29, $0.0e+00  }
0xb3: {  	v34 =	vmin.f32 v34, $3.100000000e+01;
	v38 =	vmin.f32 v27, $3.100000000e+01;
	v31 =	vmax.f32 v31, $0.0e+00  }
.Ltmp1:
0xb4: {  	v37 =	vmin.f32 v37, $3.100000000e+01;
	v39 =	vmin.f32 v28, $3.100000000e+01;
	v29 =	vmin.f32 v29, $3.100000000e+01;
	(pc) =	sbr.rel @p0 .LBB2_4-.Ltmp1, $4  }
0xb5: {  	v40 =	vtrunc.f32 v26;
	v27 =	vtrunc.f32 v34;
	v34 =	vmin.f32 v31, $3.100000000e+01;
	v26 =	vld.idx.msk [tilespmem:v21+s3+$0x0], $0xffff  }
0xb6: {  	vm0 =	vge.f32 v7, v20;
	v7 =	vmovc v30;
	v28 =	vtrunc.f32 v37;
	v31 =	vtrunc.f32 v38  }
0xb7: {  	vm1 =	vge.f32 v5, v36;
	v5 =	vmovc v32;
	v30 =	vtrunc.f32 v39;
	v29 =	vtrunc.f32 v29  }
0xb8: {  	s24 =	sadd.s32 $0x400, s24;
	s25 =	sadd.s32 $0x4, s25;
	v20 =	vcvt.f32.s32 v40;
	vm2 =	vge.f32 v6, v35;
	v6 =	vmovc v33;
	v32 =	vtrunc.f32 v34  }
0xb9: {  	v27 =	vcvt.f32.s32 v27  }
0xba: {  	v31 =	vcvt.f32.s32 v31  }
0xbb: {  	v28 =	vcvt.f32.s32 v28;
	vm3 =	vge.f32 v19, v26  }
0xbc: {  	v19 =	vcvt.f32.s32 v30;
	v26 =	vsel vm3, $0x1, v0  }
0xbd: {  	v29 =	vcvt.f32.s32 v29;
	v21 =	vadd.s32 v26, v21;
	v26 =	vsel vm0, $0x1, v0  }
0xbe: {  	v62 =	vsel vm1, $0x1, v0;
	v30 =	vcvt.f32.s32 v32;
	[tilespmem:s22+$0x100F0] =	vst v21;
	v15 =	vadd.s32 v26, v15;
	v21 =	vld.idx.msk [tilespmem:v20+s3+$0x0], $0xffff  }
0xbf: {  	v12 =	vadd.s32 v62, v12;
	vm0 =	vge.f32 v4, v24;
	v4 =	vsel vm2, $0x1, v0;
	[tilespmem:s21+$0x10080] =	vst v15;
	v15 =	vld.idx.msk [tilespmem:v27+s3+$0x0], $0xffff  }
0xc0: {  	vm1 =	vge.f32 v3, v25;
	[tilespmem:s21+$0x10090] =	vst v12;
	v3 =	vsel vm0, $0x1, v0;
	v4 =	vadd.s32 v4, v16;
	v12 =	vld.idx.msk [tilespmem:v31+s3+$0x0], $0xffff  }
0xc1: {  	vm0 =	vge.f32 v2, v22;
	v2 =	vsel vm1, $0x1, v0;
	v3 =	vadd.s32 v3, v13;
	[tilespmem:s21+$0x100A0] =	vst v4;
	v4 =	vld.idx.msk [tilespmem:v28+s3+$0x0], $0xffff  }
0xc2: {  	vm1 =	vge.f32 v1, v23;
	v1 =	vsel vm0, $0x1, v0;
	v2 =	vadd.s32 v2, v10;
	[tilespmem:s21+$0x100B0] =	vst v3;
	v3 =	vld.idx.msk [tilespmem:v19+s3+$0x0], $0xffff  }
0xc3: {  	v10 =	vsel vm1, $0x1, v0;
	v1 =	vadd.s32 v1, v9;
	[tilespmem:s21+$0x100C0] =	vst v2;
	v2 =	vld.idx.msk [tilespmem:v29+s3+$0x0], $0xffff;
	vm0 =	vge.f32 v7, v21  }
0xc4: {  	[tilespmem:s21+$0x100D0] =	vst v1;
	v1 =	vld.idx.msk [tilespmem:v30+s3+$0x0], $0xffff;
	v7 =	vadd.s32 v10, v8;
	vm1 =	vge.f32 v5, v15;
	v5 =	vsel vm0, $0x1, v0  }
0xc5: {  	[tilespmem:s21+$0x100E0] =	vst v7;
	vm0 =	vge.f32 v6, v12;
	v6 =	vsel vm1, $0x1, v0;
	v5 =	vadd.s32 v5, v20  }
0xc6: {  	vm1 =	vge.f32 v17, v4;
	v4 =	vsel vm0, $0x1, v0;
	[tilespmem:s22+$0x10080] =	vst v5;
	v5 =	vadd.s32 v6, v27  }
0xc7: {  	vm0 =	vge.f32 v14, v3;
	v3 =	vsel vm1, $0x1, v0;
	v4 =	vadd.s32 v4, v31;
	[tilespmem:s22+$0x10090] =	vst v5  }
0xc8: {  	vm1 =	vge.f32 v11, v2;
	v2 =	vsel vm0, $0x1, v0;
	v3 =	vadd.s32 v3, v28;
	[tilespmem:s22+$0x100A0] =	vst v4  }
0xc9: {  	vm0 =	vge.f32 v18, v1;
	v1 =	vsel vm1, $0x1, v0;
	v2 =	vadd.s32 v2, v19;
	[tilespmem:s22+$0x100B0] =	vst v3  }
0xca: {  	v3 =	vsel vm0, $0x1, v0;
	v1 =	vadd.s32 v1, v29;
	[tilespmem:s22+$0x100C0] =	vst v2  }
0xcb: {  	v2 =	vadd.s32 v3, v30;
	[tilespmem:s22+$0x100D0] =	vst v1  }
0xcc: {  	s29 =	simm.s32 $0x0;
	[tilespmem:s22+$0x100E0] =	vst v2  }
0xcd: {  	[hbm4b:s8+s29] =	stream.linear.scatter [tilespmem:s17], [sflag:$0x3], $0x8000, $0x38;
	[tilespmem:$0x18080] =	vst v63  }
0xce: {  	_ = 	snop  }
0xcf: {  	[tilespmem:s15], [sflag:$0x2] =	stream.linear.gather [hbm4b:s9+s29], $0x8000, $0x38;
	[tilespmem:$0x18080] =	vst v63  }
0xd0: {  	_ =	swait.ge [sflag:s16], $0x8000  }
0xd1: {  	[sflag:s16] =	ssyncset.done $0x0  }
0xd2: {  	[sflag:s16] =	ssyncadd.s32 $0xFFFF8000  }
0xd3: {  	_ =	swait.ge [sflag:s19], $0x8000  }
0xd4: {  	s30 =	sand.u32 $0x7C00, s29;
	s21 =	sand.u32 $0x380, s29;
	[sflag:s19] =	ssyncset.done $0x0  }
0xd5: {  	s21 =	sor.u32 s21, s30;
	[sflag:s19] =	ssyncadd.s32 $0xFFFF8000  }
0xd6: {  	v11 =	vld [tilespmem:s21+$0xF0]  }
0xd7: {  	v20 =	vld [tilespmem:s21+$0x80]  }
0xd8: {  	v26 =	vld [tilespmem:s21+$0x90]  }
0xd9: {  	v33 =	vld [tilespmem:s21+$0xA0]  }
0xda: {  	v4 =	vld [tilespmem:s21+$0xB0]  }
0xdb: {  	v3 =	vld [tilespmem:s21+$0xC0]  }
0xdc: {  	v2 =	vld [tilespmem:s21+$0xD0];
	_ =	sdelay $0x1  }
0xdd: {  	v1 =	vmul.f32 $5.000000000e+00, v11  }
0xde: {  	v5 =	vmul.f32 $5.000000000e+00, v20;
	v7 =	vmul.f32 $5.000000000e+00, v26  }
0xdf: {  	v8 =	vmul.f32 $5.000000000e+00, v33;
	v9 =	vmul.f32 $5.000000000e+00, v4;
	v6 =	vadd.f32 $1.600000000e+01, v1  }
0xe0: {  	v10 =	vmul.f32 $5.000000000e+00, v3;
	v12 =	vmul.f32 $5.000000000e+00, v2;
	v5 =	vadd.f32 $1.600000000e+01, v5  }
0xe1: {  	v1 =	vld [tilespmem:s21+$0xE0];
	v7 =	vadd.f32 $1.600000000e+01, v7;
	v9 =	vadd.f32 $1.600000000e+01, v9;
	v6 =	vmax.f32 v6, $0.0e+00  }
0xe2: {  	v12 =	vadd.f32 $1.600000000e+01, v12;
	v5 =	vmax.f32 v5, $0.0e+00;
	v6 =	vmin.f32 v6, $3.100000000e+01  }
0xe3: {  	s31 =	simm.s32 $0x400;
	s23 =	simm.s32 $0x4;
	v7 =	vmax.f32 v7, $0.0e+00;
	v9 =	vmax.f32 v9, $0.0e+00;
	v6 =	vtrunc.f32 v6  }
0xe4: {  	s23 =	sand.u32 $0x380, s23;
	s22 =	sand.u32 $0x7C00, s31;
	v12 =	vmax.f32 v12, $0.0e+00;
	v5 =	vmin.f32 v5, $3.100000000e+01;
	v21 =	vcvt.f32.s32 v6  }
0xe5: {  	s22 =	sor.u32 s23, s22;
	v7 =	vmin.f32 v7, $3.100000000e+01;
	v9 =	vmin.f32 v9, $3.100000000e+01;
	v5 =	vtrunc.f32 v5  }
0xe6: {  	v19 =	vld [tilespmem:s22+$0xF0];
	v13 =	vtrunc.f32 v7;
	v6 =	vadd.f32 $1.600000000e+01, v10;
	v10 =	vmul.f32 $5.000000000e+00, v1  }
0xe7: {  	v17 =	vld [tilespmem:s22+$0xB0];
	v7 =	vmin.f32 v12, $3.100000000e+01;
	v9 =	vtrunc.f32 v9;
	v15 =	vcvt.f32.s32 v5  }
0xe8: {  	v22 =	vtrunc.f32 v7;
	v7 =	vld [tilespmem:s22+$0x80];
	v12 =	vcvt.f32.s32 v13;
	v10 =	vadd.f32 $1.600000000e+01, v10  }
0xe9: {  	v8 =	vadd.f32 $1.600000000e+01, v8;
	v5 =	vld [tilespmem:s22+$0x90];
	v13 =	vcvt.f32.s32 v9;
	v6 =	vmax.f32 v6, $0.0e+00  }
0xea: {  	v9 =	vcvt.f32.s32 v22;
	v6 =	vmin.f32 v6, $3.100000000e+01;
	v10 =	vmax.f32 v10, $0.0e+00;
	v18 =	vld.idx.msk [tilespmem:v21+s3+$0x0], $0xffff  }
0xeb: {  	v22 =	vmul.f32 $5.000000000e+00, v19;
	v14 =	vtrunc.f32 v6;
	v6 =	vld [tilespmem:s22+$0xA0];
	v10 =	vmin.f32 v10, $3.100000000e+01  }
0xec: {  	v8 =	vmax.f32 v8, $0.0e+00;
	v23 =	vtrunc.f32 v10;
	v10 =	vcvt.f32.s32 v14;
	v14 =	vld [tilespmem:s22+$0xC0]  }
0xed: {  	v8 =	vmin.f32 v8, $3.100000000e+01;
	v22 =	vadd.f32 $1.600000000e+01, v22;
	v34 =	vld.idx.msk [tilespmem:v15+s3+$0x0], $0xffff  }
0xee: {  	v8 =	vtrunc.f32 v8;
	v35 =	vld.idx.msk [tilespmem:v12+s3+$0x0], $0xffff  }
0xef: {  	v16 =	vcvt.f32.s32 v8;
	v22 =	vmax.f32 v22, $0.0e+00;
	vm0 =	vge.f32 v11, v18;
	v11 =	vld [tilespmem:s22+$0xD0]  }
0xf0: {  	v22 =	vmin.f32 v22, $3.100000000e+01;
	v8 =	vcvt.f32.s32 v23;
	v23 =	vmul.f32 $5.000000000e+00, v7;
	v18 =	vld [tilespmem:s22+$0xE0]  }
0xf1: {  	v25 =	vmul.f32 $5.000000000e+00, v5;
	v22 =	vtrunc.f32 v22;
	v24 =	vsel vm0, $0x1, v0  }
0xf2: {  	v23 =	vadd.f32 $1.600000000e+01, v23;
	v63 =	vadd.s32 v24, v21;
	v21 =	vmul.f32 $5.000000000e+00, v6  }
0xf3: {  	vm1 =	vge.f32 v26, v35;
	v24 =	vadd.f32 $1.600000000e+01, v25;
	v25 =	vmul.f32 $5.000000000e+00, v17  }
0xf4: {  	vm0 =	vge.f32 v20, v34;
	v27 =	vadd.f32 $1.600000000e+01, v21;
	v21 =	vmul.f32 $5.000000000e+00, v14  }
0xf5: {  	v25 =	vadd.f32 $1.600000000e+01, v25;
	v28 =	vmul.f32 $5.000000000e+00, v11;
	v30 =	vmul.f32 $5.000000000e+00, v18  }
0xf6: {  	v29 =	vadd.f32 $1.600000000e+01, v21;
	v21 =	vcvt.f32.s32 v22;
	v22 =	vmax.f32 v23, $0.0e+00  }
0xf7: {  	v23 =	vmax.f32 v24, $0.0e+00;
	v27 =	vmax.f32 v27, $0.0e+00;
	v25 =	vmax.f32 v25, $0.0e+00  }
0xf8: {  	v36 =	vld.idx.msk [tilespmem:v16+s3+$0x0], $0xffff;
	v24 =	vadd.f32 $1.600000000e+01, v28;
	v28 =	vadd.f32 $1.600000000e+01, v30;
	v22 =	vmin.f32 v22, $3.100000000e+01  }
0xf9: {  	v23 =	vmin.f32 v23, $3.100000000e+01;
	v31 =	vmin.f32 v27, $3.100000000e+01;
	v37 =	vmin.f32 v25, $3.100000000e+01;
	v25 =	vld.idx.msk [tilespmem:v10+s3+$0x0], $0xffff  }
0xfa: {  	v29 =	vmax.f32 v29, $0.0e+00;
	v39 =	vtrunc.f32 v22;
	v30 =	vmax.f32 v24, $0.0e+00;
	v24 =	vld.idx.msk [tilespmem:v13+s3+$0x0], $0xffff  }
0xfb: {  	v27 =	vtrunc.f32 v23;
	v22 =	vld.idx.msk [tilespmem:v9+s3+$0x0], $0xffff;
	v31 =	vtrunc.f32 v31;
	v28 =	vmax.f32 v28, $0.0e+00  }
0xfc: {  	v29 =	vmin.f32 v29, $3.100000000e+01;
	v20 =	vcvt.f32.s32 v39;
	v38 =	vmin.f32 v30, $3.100000000e+01;
	v26 =	vld.idx.msk [tilespmem:v21+s3+$0x0], $0xffff  }
0xfd: {  	v23 =	vld.idx.msk [tilespmem:v8+s3+$0x0], $0xffff;
	v40 =	vmin.f32 v28, $3.100000000e+01;
	v28 =	vtrunc.f32 v37;
	v30 =	vtrunc.f32 v29  }
0xfe: {  	s24 =	simm.s32 $0x800;
	s25 =	simm.s32 $0x8;
	s23 =	simm.s32 $0x8;
	vm2 =	vge.f32 v33, v36;
	[tilespmem:s21+$0x100F0] =	vst v63;
	v29 =	vtrunc.f32 v38;
	v32 =	vtrunc.f32 v40  }
.LBB2_6:
0xff: {  	s26 =	sand.u32 $0x7C00, s24;
	s28 =	sand.u32 $0x380, s25;
	s23 =	sadd.s32 $0x8, s23;
	v27 =	vcvt.f32.s32 v27;
	v31 =	vcvt.f32.s32 v31;
	vm3 =	vge.f32 v4, v24;
	v4 =	vmovc v17  }
0x100: {  	v24 =	vcvt.f32.s32 v28;
	v28 =	vcvt.f32.s32 v30;
	vm4 =	vge.f32 v3, v25;
	v3 =	vmovc v14;
	s26 =	sor.u32 s28, s26;
	p0 =	slt.u32 s23, $0x7F8  }
0x101: {  	v25 =	vcvt.f32.s32 v29;
	v29 =	vcvt.f32.s32 v32;
	vm5 =	vge.f32 v19, v26;
	v19 =	vld [tilespmem:s26+$0xF0]  }
0x102: {  	vm6 =	vge.f32 v1, v23;
	v1 =	vmovc v18;
	v14 =	vsel vm5, $0x1, v0;
	vm5 =	vge.f32 v2, v22;
	v2 =	vmovc v11;
	v30 =	vld [tilespmem:s26+$0x80]  }
0x103: {  	v18 =	vsel vm1, $0x1, v0;
	v11 =	vadd.s32 v14, v21;
	v14 =	vsel vm0, $0x1, v0;
	v32 =	vld [tilespmem:s26+$0x90]  }
0x104: {  	v22 =	vsel vm4, $0x1, v0;
	v21 =	vsel vm3, $0x1, v0;
	v33 =	vld [tilespmem:s26+$0xA0];
	[tilespmem:s22+$0x100F0] =	vst v11;
	v11 =	vsel vm2, $0x1, v0  }
0x105: {  	v34 =	vsel vm6, $0x1, v0;
	v26 =	vsel vm5, $0x1, v0;
	v23 =	vadd.s32 v14, v15;
	v15 =	vmovc v20;
	v17 =	vld [tilespmem:s26+$0xB0]  }
0x106: {  	v18 =	vadd.s32 v18, v12;
	v12 =	vmovc v27;
	v14 =	vld [tilespmem:s26+$0xC0];
	v35 =	vmul.f32 $5.000000000e+00, v19;
	[tilespmem:s21+$0x10080] =	vst v23;
	v23 =	vadd.s32 v11, v16  }
0x107: {  	v22 =	vadd.s32 v22, v10;
	v21 =	vadd.s32 v21, v13;
	v16 =	vmovc v31;
	v36 =	vmul.f32 $5.000000000e+00, v30;
	v11 =	vld [tilespmem:s26+$0xD0];
	[tilespmem:s21+$0x10090] =	vst v18  }
0x108: {  	v10 =	vmovc v28;
	v13 =	vmovc v24;
	v37 =	vmul.f32 $5.000000000e+00, v32;
	v18 =	vld [tilespmem:s26+$0xE0];
	v35 =	vadd.f32 $1.600000000e+01, v35;
	[tilespmem:s21+$0x100A0] =	vst v23;
	v23 =	vadd.s32 v26, v9  }
0x109: {  	v9 =	vmovc v25;
	v26 =	vadd.f32 $1.600000000e+01, v36;
	v28 =	vmul.f32 $5.000000000e+00, v33;
	v20 =	vld.idx.msk [tilespmem:v20+s3+$0x0], $0xffff;
	[tilespmem:s21+$0x100B0] =	vst v21;
	v21 =	vadd.s32 v34, v8  }
0x10a: {  	v8 =	vmovc v29;
	v34 =	vadd.f32 $1.600000000e+01, v37;
	v25 =	vmul.f32 $5.000000000e+00, v17;
	v35 =	vmax.f32 v35, $0.0e+00;
	v36 =	vld.idx.msk [tilespmem:v27+s3+$0x0], $0xffff;
	[tilespmem:s21+$0x100C0] =	vst v22  }
0x10b: {  	v27 =	vadd.f32 $1.600000000e+01, v28;
	v22 =	vmul.f32 $5.000000000e+00, v14;
	v28 =	vmin.f32 v35, $3.100000000e+01;
	v35 =	vld.idx.msk [tilespmem:v31+s3+$0x0], $0xffff;
	[tilespmem:s21+$0x100D0] =	vst v23  }
0x10c: {  	v23 =	vadd.f32 $1.600000000e+01, v25;
	v29 =	vmul.f32 $5.000000000e+00, v11;
	v25 =	vtrunc.f32 v28;
	v24 =	vld.idx.msk [tilespmem:v24+s3+$0x0], $0xffff;
	[tilespmem:s21+$0x100E0] =	vst v21;
	s21 =	smov.u32 s22;
	s22 =	smov.u32 s26  }
0x10d: {  	v28 =	vadd.f32 $1.600000000e+01, v22;
	v31 =	vmul.f32 $5.000000000e+00, v18;
	v21 =	vcvt.f32.s32 v25;
	v25 =	vld.idx.msk [tilespmem:v10+s3+$0x0], $0xffff  }
0x10e: {  	v26 =	vmax.f32 v26, $0.0e+00;
	v34 =	vmax.f32 v34, $0.0e+00;
	v29 =	vadd.f32 $1.600000000e+01, v29;
	v22 =	vld.idx.msk [tilespmem:v9+s3+$0x0], $0xffff  }
0x10f: {  	v27 =	vmax.f32 v27, $0.0e+00;
	v37 =	vmax.f32 v23, $0.0e+00;
	v31 =	vadd.f32 $1.600000000e+01, v31;
	v23 =	vld.idx.msk [tilespmem:v8+s3+$0x0], $0xffff  }
0x110: {  	v26 =	vmin.f32 v26, $3.100000000e+01;
	v28 =	vmax.f32 v28, $0.0e+00;
	v29 =	vmax.f32 v29, $0.0e+00  }
0x111: {  	v34 =	vmin.f32 v34, $3.100000000e+01;
	v38 =	vmin.f32 v27, $3.100000000e+01;
	v31 =	vmax.f32 v31, $0.0e+00  }
.Ltmp2:
0x112: {  	v37 =	vmin.f32 v37, $3.100000000e+01;
	v39 =	vmin.f32 v28, $3.100000000e+01;
	v29 =	vmin.f32 v29, $3.100000000e+01;
	(pc) =	sbr.rel @p0 .LBB2_6-.Ltmp2, $4  }
0x113: {  	v40 =	vtrunc.f32 v26;
	v27 =	vtrunc.f32 v34;
	v34 =	vmin.f32 v31, $3.100000000e+01;
	v26 =	vld.idx.msk [tilespmem:v21+s3+$0x0], $0xffff  }
0x114: {  	vm0 =	vge.f32 v7, v20;
	v7 =	vmovc v30;
	v28 =	vtrunc.f32 v37;
	v31 =	vtrunc.f32 v38  }
0x115: {  	vm1 =	vge.f32 v5, v36;
	v5 =	vmovc v32;
	v30 =	vtrunc.f32 v39;
	v29 =	vtrunc.f32 v29  }
0x116: {  	s24 =	sadd.s32 $0x400, s24;
	s25 =	sadd.s32 $0x4, s25;
	v20 =	vcvt.f32.s32 v40;
	vm2 =	vge.f32 v6, v35;
	v6 =	vmovc v33;
	v32 =	vtrunc.f32 v34  }
0x117: {  	v27 =	vcvt.f32.s32 v27  }
0x118: {  	v31 =	vcvt.f32.s32 v31  }
0x119: {  	v28 =	vcvt.f32.s32 v28;
	vm3 =	vge.f32 v19, v26  }
0x11a: {  	v19 =	vcvt.f32.s32 v30;
	v26 =	vsel vm3, $0x1, v0  }
0x11b: {  	v29 =	vcvt.f32.s32 v29;
	v21 =	vadd.s32 v26, v21;
	v26 =	vsel vm0, $0x1, v0  }
0x11c: {  	v62 =	vsel vm1, $0x1, v0;
	v30 =	vcvt.f32.s32 v32;
	[tilespmem:s22+$0x100F0] =	vst v21;
	v15 =	vadd.s32 v26, v15;
	v21 =	vld.idx.msk [tilespmem:v20+s3+$0x0], $0xffff  }
0x11d: {  	v12 =	vadd.s32 v62, v12;
	vm0 =	vge.f32 v4, v24;
	v4 =	vsel vm2, $0x1, v0;
	[tilespmem:s21+$0x10080] =	vst v15;
	v15 =	vld.idx.msk [tilespmem:v27+s3+$0x0], $0xffff  }
0x11e: {  	vm1 =	vge.f32 v3, v25;
	[tilespmem:s21+$0x10090] =	vst v12;
	v3 =	vsel vm0, $0x1, v0;
	v4 =	vadd.s32 v4, v16;
	v12 =	vld.idx.msk [tilespmem:v31+s3+$0x0], $0xffff  }
0x11f: {  	vm0 =	vge.f32 v2, v22;
	v2 =	vsel vm1, $0x1, v0;
	v3 =	vadd.s32 v3, v13;
	[tilespmem:s21+$0x100A0] =	vst v4;
	v4 =	vld.idx.msk [tilespmem:v28+s3+$0x0], $0xffff  }
0x120: {  	vm1 =	vge.f32 v1, v23;
	v1 =	vsel vm0, $0x1, v0;
	v2 =	vadd.s32 v2, v10;
	[tilespmem:s21+$0x100B0] =	vst v3;
	v3 =	vld.idx.msk [tilespmem:v19+s3+$0x0], $0xffff  }
0x121: {  	v10 =	vsel vm1, $0x1, v0;
	v1 =	vadd.s32 v1, v9;
	[tilespmem:s21+$0x100C0] =	vst v2;
	v2 =	vld.idx.msk [tilespmem:v29+s3+$0x0], $0xffff;
	vm0 =	vge.f32 v7, v21  }
0x122: {  	[tilespmem:s21+$0x100D0] =	vst v1;
	v1 =	vld.idx.msk [tilespmem:v30+s3+$0x0], $0xffff;
	v7 =	vadd.s32 v10, v8;
	vm1 =	vge.f32 v5, v15;
	v5 =	vsel vm0, $0x1, v0  }
0x123: {  	[tilespmem:s21+$0x100E0] =	vst v7;
	vm0 =	vge.f32 v6, v12;
	v6 =	vsel vm1, $0x1, v0;
	v5 =	vadd.s32 v5, v20  }
0x124: {  	vm1 =	vge.f32 v17, v4;
	v4 =	vsel vm0, $0x1, v0;
	[tilespmem:s22+$0x10080] =	vst v5;
	v5 =	vadd.s32 v6, v27  }
0x125: {  	vm0 =	vge.f32 v14, v3;
	v3 =	vsel vm1, $0x1, v0;
	v4 =	vadd.s32 v4, v31;
	[tilespmem:s22+$0x10090] =	vst v5  }
0x126: {  	vm1 =	vge.f32 v11, v2;
	v2 =	vsel vm0, $0x1, v0;
	v3 =	vadd.s32 v3, v28;
	[tilespmem:s22+$0x100A0] =	vst v4  }
0x127: {  	vm0 =	vge.f32 v18, v1;
	v1 =	vsel vm1, $0x1, v0;
	v2 =	vadd.s32 v2, v19;
	[tilespmem:s22+$0x100B0] =	vst v3  }
0x128: {  	v3 =	vsel vm0, $0x1, v0;
	v1 =	vadd.s32 v1, v29;
	[tilespmem:s22+$0x100C0] =	vst v2  }
0x129: {  	v2 =	vadd.s32 v3, v30;
	[tilespmem:s22+$0x100D0] =	vst v1  }
0x12a: {  	s29 =	simm.s32 $0x0;
	[tilespmem:s22+$0x100E0] =	vst v2  }
0x12b: {  	[hbm4b:s10+s29] =	stream.linear.scatter [tilespmem:s17], [sflag:$0x3], $0x8000, $0x38;
	[tilespmem:$0x18080] =	vst v63  }
0x12c: {  	_ =	swait.ge [sflag:s18], $0x8000  }
0x12d: {  	[sflag:s18] =	ssyncset.done $0x0  }
0x12e: {  	[sflag:s18] =	ssyncadd.s32 $0xFFFF8000  }
0x12f: {  	_ =	swait.ge [sflag:s19], $0x8000  }
0x130: {  	s30 =	sand.u32 $0x7C00, s29;
	s21 =	sand.u32 $0x380, s29;
	[sflag:s19] =	ssyncset.done $0x0  }
0x131: {  	s21 =	sor.u32 s21, s30;
	[sflag:s19] =	ssyncadd.s32 $0xFFFF8000  }
0x132: {  	v11 =	vld [tilespmem:s21+$0x80F0]  }
0x133: {  	v20 =	vld [tilespmem:s21+$0x8080]  }
0x134: {  	v26 =	vld [tilespmem:s21+$0x8090]  }
0x135: {  	v33 =	vld [tilespmem:s21+$0x80A0]  }
0x136: {  	v4 =	vld [tilespmem:s21+$0x80B0]  }
0x137: {  	v3 =	vld [tilespmem:s21+$0x80C0]  }
0x138: {  	v2 =	vld [tilespmem:s21+$0x80D0];
	_ =	sdelay $0x1  }
0x139: {  	v1 =	vmul.f32 $5.000000000e+00, v11  }
0x13a: {  	v5 =	vmul.f32 $5.000000000e+00, v20;
	v7 =	vmul.f32 $5.000000000e+00, v26  }
0x13b: {  	v8 =	vmul.f32 $5.000000000e+00, v33;
	v9 =	vmul.f32 $5.000000000e+00, v4;
	v6 =	vadd.f32 $1.600000000e+01, v1  }
0x13c: {  	v10 =	vmul.f32 $5.000000000e+00, v3;
	v12 =	vmul.f32 $5.000000000e+00, v2;
	v5 =	vadd.f32 $1.600000000e+01, v5  }
0x13d: {  	v1 =	vld [tilespmem:s21+$0x80E0];
	v7 =	vadd.f32 $1.600000000e+01, v7;
	v9 =	vadd.f32 $1.600000000e+01, v9;
	v6 =	vmax.f32 v6, $0.0e+00  }
0x13e: {  	v12 =	vadd.f32 $1.600000000e+01, v12;
	v5 =	vmax.f32 v5, $0.0e+00;
	v6 =	vmin.f32 v6, $3.100000000e+01  }
0x13f: {  	s31 =	simm.s32 $0x400;
	s23 =	simm.s32 $0x4;
	v7 =	vmax.f32 v7, $0.0e+00;
	v9 =	vmax.f32 v9, $0.0e+00;
	v6 =	vtrunc.f32 v6  }
0x140: {  	s23 =	sand.u32 $0x380, s23;
	s22 =	sand.u32 $0x7C00, s31;
	v12 =	vmax.f32 v12, $0.0e+00;
	v5 =	vmin.f32 v5, $3.100000000e+01;
	v21 =	vcvt.f32.s32 v6  }
0x141: {  	s22 =	sor.u32 s23, s22;
	v7 =	vmin.f32 v7, $3.100000000e+01;
	v9 =	vmin.f32 v9, $3.100000000e+01;
	v5 =	vtrunc.f32 v5  }
0x142: {  	v19 =	vld [tilespmem:s22+$0x80F0];
	v13 =	vtrunc.f32 v7;
	v6 =	vadd.f32 $1.600000000e+01, v10;
	v10 =	vmul.f32 $5.000000000e+00, v1  }
0x143: {  	v17 =	vld [tilespmem:s22+$0x80B0];
	v7 =	vmin.f32 v12, $3.100000000e+01;
	v9 =	vtrunc.f32 v9;
	v15 =	vcvt.f32.s32 v5  }
0x144: {  	v22 =	vtrunc.f32 v7;
	v7 =	vld [tilespmem:s22+$0x8080];
	v12 =	vcvt.f32.s32 v13;
	v10 =	vadd.f32 $1.600000000e+01, v10  }
0x145: {  	v8 =	vadd.f32 $1.600000000e+01, v8;
	v5 =	vld [tilespmem:s22+$0x8090];
	v13 =	vcvt.f32.s32 v9;
	v6 =	vmax.f32 v6, $0.0e+00  }
0x146: {  	v9 =	vcvt.f32.s32 v22;
	v6 =	vmin.f32 v6, $3.100000000e+01;
	v10 =	vmax.f32 v10, $0.0e+00;
	v18 =	vld.idx.msk [tilespmem:v21+s3+$0x0], $0xffff  }
0x147: {  	v22 =	vmul.f32 $5.000000000e+00, v19;
	v14 =	vtrunc.f32 v6;
	v6 =	vld [tilespmem:s22+$0x80A0];
	v10 =	vmin.f32 v10, $3.100000000e+01  }
0x148: {  	v8 =	vmax.f32 v8, $0.0e+00;
	v23 =	vtrunc.f32 v10;
	v10 =	vcvt.f32.s32 v14;
	v14 =	vld [tilespmem:s22+$0x80C0]  }
0x149: {  	v8 =	vmin.f32 v8, $3.100000000e+01;
	v22 =	vadd.f32 $1.600000000e+01, v22;
	v34 =	vld.idx.msk [tilespmem:v15+s3+$0x0], $0xffff  }
0x14a: {  	v8 =	vtrunc.f32 v8;
	v35 =	vld.idx.msk [tilespmem:v12+s3+$0x0], $0xffff  }
0x14b: {  	v16 =	vcvt.f32.s32 v8;
	v22 =	vmax.f32 v22, $0.0e+00;
	vm0 =	vge.f32 v11, v18;
	v11 =	vld [tilespmem:s22+$0x80D0]  }
0x14c: {  	v22 =	vmin.f32 v22, $3.100000000e+01;
	v8 =	vcvt.f32.s32 v23;
	v23 =	vmul.f32 $5.000000000e+00, v7;
	v18 =	vld [tilespmem:s22+$0x80E0]  }
0x14d: {  	v25 =	vmul.f32 $5.000000000e+00, v5;
	v22 =	vtrunc.f32 v22;
	v24 =	vsel vm0, $0x1, v0  }
0x14e: {  	v23 =	vadd.f32 $1.600000000e+01, v23;
	v63 =	vadd.s32 v24, v21;
	v21 =	vmul.f32 $5.000000000e+00, v6  }
0x14f: {  	vm1 =	vge.f32 v26, v35;
	v24 =	vadd.f32 $1.600000000e+01, v25;
	v25 =	vmul.f32 $5.000000000e+00, v17  }
0x150: {  	vm0 =	vge.f32 v20, v34;
	v27 =	vadd.f32 $1.600000000e+01, v21;
	v21 =	vmul.f32 $5.000000000e+00, v14  }
0x151: {  	v25 =	vadd.f32 $1.600000000e+01, v25;
	v28 =	vmul.f32 $5.000000000e+00, v11;
	v30 =	vmul.f32 $5.000000000e+00, v18  }
0x152: {  	v29 =	vadd.f32 $1.600000000e+01, v21;
	v21 =	vcvt.f32.s32 v22;
	v22 =	vmax.f32 v23, $0.0e+00  }
0x153: {  	v23 =	vmax.f32 v24, $0.0e+00;
	v27 =	vmax.f32 v27, $0.0e+00;
	v25 =	vmax.f32 v25, $0.0e+00  }
0x154: {  	v36 =	vld.idx.msk [tilespmem:v16+s3+$0x0], $0xffff;
	v24 =	vadd.f32 $1.600000000e+01, v28;
	v28 =	vadd.f32 $1.600000000e+01, v30;
	v22 =	vmin.f32 v22, $3.100000000e+01  }
0x155: {  	v23 =	vmin.f32 v23, $3.100000000e+01;
	v31 =	vmin.f32 v27, $3.100000000e+01;
	v37 =	vmin.f32 v25, $3.100000000e+01;
	v25 =	vld.idx.msk [tilespmem:v10+s3+$0x0], $0xffff  }
0x156: {  	v29 =	vmax.f32 v29, $0.0e+00;
	v39 =	vtrunc.f32 v22;
	v30 =	vmax.f32 v24, $0.0e+00;
	v24 =	vld.idx.msk [tilespmem:v13+s3+$0x0], $0xffff  }
0x157: {  	v27 =	vtrunc.f32 v23;
	v22 =	vld.idx.msk [tilespmem:v9+s3+$0x0], $0xffff;
	v31 =	vtrunc.f32 v31;
	v28 =	vmax.f32 v28, $0.0e+00  }
0x158: {  	v29 =	vmin.f32 v29, $3.100000000e+01;
	v20 =	vcvt.f32.s32 v39;
	v38 =	vmin.f32 v30, $3.100000000e+01;
	v26 =	vld.idx.msk [tilespmem:v21+s3+$0x0], $0xffff  }
0x159: {  	v23 =	vld.idx.msk [tilespmem:v8+s3+$0x0], $0xffff;
	v40 =	vmin.f32 v28, $3.100000000e+01;
	v28 =	vtrunc.f32 v37;
	v30 =	vtrunc.f32 v29  }
0x15a: {  	s24 =	simm.s32 $0x800;
	s25 =	simm.s32 $0x8;
	s23 =	simm.s32 $0x8;
	vm2 =	vge.f32 v33, v36;
	[tilespmem:s21+$0x100F0] =	vst v63;
	v29 =	vtrunc.f32 v38;
	v32 =	vtrunc.f32 v40  }
.LBB2_8:
0x15b: {  	s26 =	sand.u32 $0x7C00, s24;
	s28 =	sand.u32 $0x380, s25;
	s23 =	sadd.s32 $0x8, s23;
	v27 =	vcvt.f32.s32 v27;
	v31 =	vcvt.f32.s32 v31;
	vm3 =	vge.f32 v4, v24;
	v4 =	vmovc v17  }
0x15c: {  	v24 =	vcvt.f32.s32 v28;
	v28 =	vcvt.f32.s32 v30;
	vm4 =	vge.f32 v3, v25;
	v3 =	vmovc v14;
	s26 =	sor.u32 s28, s26;
	p0 =	slt.u32 s23, $0x7F8  }
0x15d: {  	v25 =	vcvt.f32.s32 v29;
	v29 =	vcvt.f32.s32 v32;
	vm5 =	vge.f32 v19, v26;
	v19 =	vld [tilespmem:s26+$0x80F0]  }
0x15e: {  	vm6 =	vge.f32 v1, v23;
	v1 =	vmovc v18;
	v14 =	vsel vm5, $0x1, v0;
	vm5 =	vge.f32 v2, v22;
	v2 =	vmovc v11;
	v30 =	vld [tilespmem:s26+$0x8080]  }
0x15f: {  	v18 =	vsel vm1, $0x1, v0;
	v11 =	vadd.s32 v14, v21;
	v14 =	vsel vm0, $0x1, v0;
	v32 =	vld [tilespmem:s26+$0x8090]  }
0x160: {  	v22 =	vsel vm4, $0x1, v0;
	v21 =	vsel vm3, $0x1, v0;
	v33 =	vld [tilespmem:s26+$0x80A0];
	[tilespmem:s22+$0x100F0] =	vst v11;
	v11 =	vsel vm2, $0x1, v0  }
0x161: {  	v34 =	vsel vm6, $0x1, v0;
	v26 =	vsel vm5, $0x1, v0;
	v23 =	vadd.s32 v14, v15;
	v15 =	vmovc v20;
	v17 =	vld [tilespmem:s26+$0x80B0]  }
0x162: {  	v18 =	vadd.s32 v18, v12;
	v12 =	vmovc v27;
	v14 =	vld [tilespmem:s26+$0x80C0];
	v35 =	vmul.f32 $5.000000000e+00, v19;
	[tilespmem:s21+$0x10080] =	vst v23;
	v23 =	vadd.s32 v11, v16  }
0x163: {  	v22 =	vadd.s32 v22, v10;
	v21 =	vadd.s32 v21, v13;
	v16 =	vmovc v31;
	v36 =	vmul.f32 $5.000000000e+00, v30;
	v11 =	vld [tilespmem:s26+$0x80D0];
	[tilespmem:s21+$0x10090] =	vst v18  }
0x164: {  	v10 =	vmovc v28;
	v13 =	vmovc v24;
	v37 =	vmul.f32 $5.000000000e+00, v32;
	v18 =	vld [tilespmem:s26+$0x80E0];
	v35 =	vadd.f32 $1.600000000e+01, v35;
	[tilespmem:s21+$0x100A0] =	vst v23;
	v23 =	vadd.s32 v26, v9  }
0x165: {  	v9 =	vmovc v25;
	v26 =	vadd.f32 $1.600000000e+01, v36;
	v28 =	vmul.f32 $5.000000000e+00, v33;
	v20 =	vld.idx.msk [tilespmem:v20+s3+$0x0], $0xffff;
	[tilespmem:s21+$0x100B0] =	vst v21;
	v21 =	vadd.s32 v34, v8  }
0x166: {  	v8 =	vmovc v29;
	v34 =	vadd.f32 $1.600000000e+01, v37;
	v25 =	vmul.f32 $5.000000000e+00, v17;
	v35 =	vmax.f32 v35, $0.0e+00;
	v36 =	vld.idx.msk [tilespmem:v27+s3+$0x0], $0xffff;
	[tilespmem:s21+$0x100C0] =	vst v22  }
0x167: {  	v27 =	vadd.f32 $1.600000000e+01, v28;
	v22 =	vmul.f32 $5.000000000e+00, v14;
	v28 =	vmin.f32 v35, $3.100000000e+01;
	v35 =	vld.idx.msk [tilespmem:v31+s3+$0x0], $0xffff;
	[tilespmem:s21+$0x100D0] =	vst v23  }
0x168: {  	v23 =	vadd.f32 $1.600000000e+01, v25;
	v29 =	vmul.f32 $5.000000000e+00, v11;
	v25 =	vtrunc.f32 v28;
	v24 =	vld.idx.msk [tilespmem:v24+s3+$0x0], $0xffff;
	[tilespmem:s21+$0x100E0] =	vst v21;
	s21 =	smov.u32 s22;
	s22 =	smov.u32 s26  }
0x169: {  	v28 =	vadd.f32 $1.600000000e+01, v22;
	v31 =	vmul.f32 $5.000000000e+00, v18;
	v21 =	vcvt.f32.s32 v25;
	v25 =	vld.idx.msk [tilespmem:v10+s3+$0x0], $0xffff  }
0x16a: {  	v26 =	vmax.f32 v26, $0.0e+00;
	v34 =	vmax.f32 v34, $0.0e+00;
	v29 =	vadd.f32 $1.600000000e+01, v29;
	v22 =	vld.idx.msk [tilespmem:v9+s3+$0x0], $0xffff  }
0x16b: {  	v27 =	vmax.f32 v27, $0.0e+00;
	v37 =	vmax.f32 v23, $0.0e+00;
	v31 =	vadd.f32 $1.600000000e+01, v31;
	v23 =	vld.idx.msk [tilespmem:v8+s3+$0x0], $0xffff  }
0x16c: {  	v26 =	vmin.f32 v26, $3.100000000e+01;
	v28 =	vmax.f32 v28, $0.0e+00;
	v29 =	vmax.f32 v29, $0.0e+00  }
0x16d: {  	v34 =	vmin.f32 v34, $3.100000000e+01;
	v38 =	vmin.f32 v27, $3.100000000e+01;
	v31 =	vmax.f32 v31, $0.0e+00  }
.Ltmp3:
0x16e: {  	v37 =	vmin.f32 v37, $3.100000000e+01;
	v39 =	vmin.f32 v28, $3.100000000e+01;
	v29 =	vmin.f32 v29, $3.100000000e+01;
	(pc) =	sbr.rel @p0 .LBB2_8-.Ltmp3, $4  }
0x16f: {  	v40 =	vtrunc.f32 v26;
	v27 =	vtrunc.f32 v34;
	v34 =	vmin.f32 v31, $3.100000000e+01;
	v26 =	vld.idx.msk [tilespmem:v21+s3+$0x0], $0xffff  }
0x170: {  	vm0 =	vge.f32 v7, v20;
	v7 =	vmovc v30;
	v28 =	vtrunc.f32 v37;
	v31 =	vtrunc.f32 v38  }
0x171: {  	vm1 =	vge.f32 v5, v36;
	v5 =	vmovc v32;
	v30 =	vtrunc.f32 v39;
	v29 =	vtrunc.f32 v29  }
0x172: {  	s24 =	sadd.s32 $0x400, s24;
	s25 =	sadd.s32 $0x4, s25;
	v20 =	vcvt.f32.s32 v40;
	vm2 =	vge.f32 v6, v35;
	v6 =	vmovc v33;
	v32 =	vtrunc.f32 v34  }
0x173: {  	v27 =	vcvt.f32.s32 v27  }
0x174: {  	v31 =	vcvt.f32.s32 v31  }
0x175: {  	v28 =	vcvt.f32.s32 v28  }
0x176: {  	v49 =	vcvt.f32.s32 v30;
	v29 =	vcvt.f32.s32 v29;
	v50 =	vsel vm0, $0x1, v0  }
0x177: {  	v51 =	vcvt.f32.s32 v32;
	v52 =	vsel vm1, $0x1, v0;
	v15 =	vadd.s32 v50, v15  }
0x178: {  	vm5 =	vge.f32 v4, v24;
	v54 =	vsel vm2, $0x1, v0;
	v53 =	vld.idx.msk [tilespmem:v20+s3+$0x0], $0xffff;
	v12 =	vadd.s32 v52, v12;
	[tilespmem:s21+$0x10080] =	vst v15  }
0x179: {  	vm6 =	vge.f32 v3, v25;
	v3 =	vsel vm5, $0x1, v0;
	v4 =	vadd.s32 v54, v16;
	[tilespmem:s21+$0x10090] =	vst v12;
	v55 =	vld.idx.msk [tilespmem:v27+s3+$0x0], $0xffff  }
0x17a: {  	vm7 =	vge.f32 v2, v22;
	v2 =	vsel vm6, $0x1, v0;
	v3 =	vadd.s32 v3, v13;
	[tilespmem:s21+$0x100A0] =	vst v4;
	v56 =	vld.idx.msk [tilespmem:v31+s3+$0x0], $0xffff  }
0x17b: {  	vm8 =	vge.f32 v1, v23;
	v1 =	vsel vm7, $0x1, v0;
	v2 =	vadd.s32 v2, v10;
	[tilespmem:s21+$0x100B0] =	vst v3;
	v57 =	vld.idx.msk [tilespmem:v28+s3+$0x0], $0xffff  }
0x17c: {  	vm3 =	vge.f32 v19, v26;
	v58 =	vsel vm8, $0x1, v0;
	v1 =	vadd.s32 v1, v9;
	[tilespmem:s21+$0x100C0] =	vst v2;
	v3 =	vld.idx.msk [tilespmem:v49+s3+$0x0], $0xffff  }
0x17d: {  	v26 =	vsel vm3, $0x1, v0;
	v59 =	vadd.s32 v58, v8;
	[tilespmem:s21+$0x100D0] =	vst v1;
	v2 =	vld.idx.msk [tilespmem:v29+s3+$0x0], $0xffff;
	vm9 =	vge.f32 v7, v53  }
0x17e: {  	v21 =	vadd.s32 v26, v21;
	[tilespmem:s21+$0x100E0] =	vst v59;
	v1 =	vld.idx.msk [tilespmem:v51+s3+$0x0], $0xffff;
	v60 =	vsel vm9, $0x1, v0;
	vm10 =	vge.f32 v5, v55  }
0x17f: {  	[tilespmem:s22+$0x100F0] =	vst v21;
	vm11 =	vge.f32 v6, v56;
	v5 =	vadd.s32 v60, v20;
	v61 =	vsel vm10, $0x1, v0  }
0x180: {  	vm12 =	vge.f32 v17, v57;
	v62 =	vsel vm11, $0x1, v0;
	[tilespmem:s22+$0x10080] =	vst v5;
	v63 =	vadd.s32 v61, v27  }
0x181: {  	vm13 =	vge.f32 v14, v3;
	v3 =	vsel vm12, $0x1, v0;
	v4 =	vadd.s32 v62, v31;
	[tilespmem:s22+$0x10090] =	vst v63  }
0x182: {  	vm14 =	vge.f32 v11, v2;
	v2 =	vsel vm13, $0x1, v0;
	v3 =	vadd.s32 v3, v28;
	[tilespmem:s22+$0x100A0] =	vst v4  }
0x183: {  	vm15 =	vge.f32 v18, v1;
	v1 =	vsel vm14, $0x1, v0;
	v2 =	vadd.s32 v2, v49;
	[tilespmem:s22+$0x100B0] =	vst v3  }
0x184: {  	s20 =	sadd.s32 $0x1, s20;
	v1 =	vadd.s32 v1, v29;
	v3 =	vsel vm15, $0x1, v0;
	[tilespmem:s22+$0x100C0] =	vst v2  }
0x185: {  	p0 =	sne.s32 s20, s12;
	[tilespmem:s22+$0x100D0] =	vst v1;
	v2 =	vadd.s32 v3, v51  }
.Ltmp4:
0x186: {  	[tilespmem:s22+$0x100E0] =	vst v2;
	(pc) =	sbr.rel @p0 .LBB2_1-.Ltmp4, $4  }
0x187: {  	[hbm4b:s11+s3] =	stream.linear.scatter [tilespmem:s17], [sflag:$0x3], $0x8000, $0x38;
	[tilespmem:$0x18080] =	vst v63  }
0x188: {  	_ =	swait.ge [sflag:s19], $0x8000  }
0x189: {  	[sflag:s19] =	ssyncset.done $0x0  }
0x18a: {  	[sflag:s19] =	ssyncadd.s32 $0xFFFF8000  }
0x18b: {  	_ =	sfence.sel $0x180000  }
0x18c: {  	[bflag:$0x0] =	sbarrier.arrive $0xFFFF  }
0x18d: {  	p0 =	sne.s32 s2, $0x0;
	_ =	strace $0x90000047  }
0x18e: {  	s0 =	sadd.s32 @!p0 $0x100000, s0;
	[bflag:$0x2] =	sbarrier.arrive $0xFFFF  }
0x18f: {  	[sflag:s0] =	ssyncadd.tile.s32 @!p0 $0x1;
	_ =	shalt  }
.Lfunc_end2:
_tile_overlayer_lowered:
.L_overlay_start_2:
0x190: {  	(tag) =	ssettag $0x2  }
0x191: {  	s0 =	rddreg [dreg:$0x0];
	s2 =	stileid.u32  }
0x192: {  	s1 =	rddreg [dreg:$0x1];
	p0 =	sne.s32 s2, $0x0  }
0x193: {  	s3 =	rddreg [dreg:$0x2];
	[bflag:$0x3] =	sbarrier.arrive $0xFFFF;
	s2 =	simm.s32 @!p0 $0x1C04  }
0x194: {  	[timem:s3], [sflag:s2] =	dma.local @!p0 [hbm:s0], s1  }
0x195: {  	s0 =	simm.s32 @!p0 $0x4  }
0x196: {  	_ =	swait.ge @!p0 [sflag:s0], s1  }
0x197: {  	s1 =	ssub.s32 @!p0 $0x0, s1;
	[sflag:s0] =	ssyncset.done @!p0 $0x0  }
0x198: {  	[sflag:s0] =	ssyncadd.s32 @!p0 s1  }
0x199: {  	[bflag:$0x3] =	sbarrier.arrive $0xFFFF  }
0x19a: {  	_ =	shalt  }

</sc_bundles>
